<compile_context>
chip_gen: v7x
topology: tpu7x:2x2x1
jax: 0.10.2.dev20260603
libtpu: 0.0.44.dev20260713+nightly
codegen_flags: <defaults>
</compile_context>

<pallas_src>
import functools

import jax
import jax.numpy as jnp
from jax import lax
from jax.experimental import pallas as pl
from jax.experimental.pallas import tpu as pltpu
from jax.experimental.pallas import tpu_sc as plsc

_NBX = 256
_NBY = 256
_XL, _XH, _YL, _YH = 0.0, 1.0, 0.0, 1.0
_BSX = (_XH - _XL) / _NBX
_BSY = (_YH - _YL) / _NBY
_NETS = 20000
_NODES = 25000
_MOVABLE = 20000
_DEG = 5
_PINS = _NETS * _DEG
_UNIT_H_CAP = 10000.0
_UNIT_V_CAP = 10000.0
_MAX_RATE = 2.0
_MIN_RATE = 1.0 / _MAX_RATE
_BIN_AREA = _BSX * _BSY

_RISA_DEG = (1, 2, 3, 4, 5, 6, 7, 8, 9, 10, 15, 20, 25, 30, 35, 40, 45)
_RISA_WT = (1.0, 1.0, 1.0, 1.0828, 1.1536, 1.2206, 1.2823, 1.3385, 1.3991,
            1.4493, 1.6899, 1.8924, 2.0743, 2.2334, 2.3895, 2.5356, 2.6625,
            2.7933)

_NW = 32
_NETS_W = 640
_PINS_W = _NETS_W * _DEG
_CH = 128
_NCH = _PINS_W // _CH
_NG = _NETS_W // 16

_KN = 2048
_NETS_PAD = 20480
_NBLK_D = _NETS_PAD // _KN
_PINS_PAD = _NETS_PAD * _DEG

_MOV_TC = 10240
_MOV_SC = _MOVABLE - _MOV_TC
_KB = 1024
_NBLK_I = _MOV_TC // _KB
_NODES_SW = 320
_NG_I = _NODES_SW // 16
_NIDX = _NODES_SW * 9
_ICH = 120
_NICH = _NIDX // _ICH


def _bbox_sparsecore(px, py, fnp):
    mesh = plsc.VectorSubcoreMesh(core_axis_name="c", subcore_axis_name="s",
                                  num_cores=2, num_subcores=16)

    @functools.partial(
        pl.kernel,
        out_type=[jax.ShapeDtypeStruct((_NETS_PAD,), jnp.float32)] * 4,
        mesh=mesh,
        scratch_types=[
            pltpu.VMEM((_PINS_W,), jnp.int32),
            pltpu.VMEM((_PINS_W,), jnp.float32),
            pltpu.VMEM((_PINS_W,), jnp.float32),
            pltpu.VMEM((_NETS_W,), jnp.float32),
            pltpu.VMEM((_NETS_W,), jnp.float32),
            pltpu.VMEM((_NETS_W,), jnp.float32),
            pltpu.VMEM((_NETS_W,), jnp.float32),
            pltpu.SemaphoreType.DMA,
        ],
        compiler_params=pltpu.CompilerParams(needs_layout_passes=False),
    )
    def k(px_hbm, py_hbm, fnp_hbm, xmin_hbm, xmax_hbm, ymin_hbm, ymax_hbm,
          idx_v, pxv, pyv, xminv, xmaxv, yminv, ymaxv, sem):
        w = lax.axis_index("c") * 16 + lax.axis_index("s")
        pin_off = w * _PINS_W
        net_off = w * _NETS_W
        pltpu.sync_copy(fnp_hbm.at[pl.ds(pin_off, _PINS_W)], idx_v)

        def fire(j, c):
            s = pl.ds(j * _CH, _CH)
            pltpu.make_async_copy(px_hbm.at[idx_v.at[s]], pxv.at[s],
                                  sem).start()
            pltpu.make_async_copy(py_hbm.at[idx_v.at[s]], pyv.at[s],
                                  sem).start()
            return c

        lax.fori_loop(0, _NCH, fire, 0)

        def drain(j, c):
            s = pl.ds(j * _CH, _CH)
            pltpu.make_async_copy(px_hbm.at[idx_v.at[s]], pxv.at[s],
                                  sem).wait()
            pltpu.make_async_copy(py_hbm.at[idx_v.at[s]], pyv.at[s],
                                  sem).wait()
            return c

        lax.fori_loop(0, _NCH, drain, 0)

        lane5 = lax.iota(jnp.int32, 16) * _DEG

        def grp(g, c):
            i0 = g * (16 * _DEG) + lane5
            xs = [plsc.load_gather(pxv, [i0 + k]) for k in range(_DEG)]
            ys = [plsc.load_gather(pyv, [i0 + k]) for k in range(_DEG)]
            xmn, xmx = xs[0], xs[0]
            ymn, ymx = ys[0], ys[0]
            for k in range(1, _DEG):
                xmn = jnp.minimum(xmn, xs[k])
                xmx = jnp.maximum(xmx, xs[k])
                ymn = jnp.minimum(ymn, ys[k])
                ymx = jnp.maximum(ymx, ys[k])
            xminv[pl.ds(g * 16, 16)] = xmn
            xmaxv[pl.ds(g * 16, 16)] = xmx
            yminv[pl.ds(g * 16, 16)] = ymn
            ymaxv[pl.ds(g * 16, 16)] = ymx
            return c

        lax.fori_loop(0, _NG, grp, 0)

        pltpu.sync_copy(xminv, xmin_hbm.at[pl.ds(net_off, _NETS_W)])
        pltpu.sync_copy(xmaxv, xmax_hbm.at[pl.ds(net_off, _NETS_W)])
        pltpu.sync_copy(yminv, ymin_hbm.at[pl.ds(net_off, _NETS_W)])
        pltpu.sync_copy(ymaxv, ymax_hbm.at[pl.ds(net_off, _NETS_W)])

    return k(px, py, fnp)


def _demand_body(xmin_r, xmax_r, ymin_r, ymax_r, deg_r, nw_r, util_r,
                 utilf_r, acc_r):
    i = pl.program_id(0)
    if True:
        xmn = xmin_r[...].reshape(1, _KN)
        xmx = xmax_r[...].reshape(1, _KN)
        ymn = ymin_r[...].reshape(1, _KN)
        ymx = ymax_r[...].reshape(1, _KN)
        dg = deg_r[...].reshape(1, _KN)

        sidx = jnp.zeros(dg.shape, jnp.int32)
        for d in _RISA_DEG:
            sidx = sidx + (dg > d).astype(jnp.int32)
        sidx = jnp.minimum(sidx, len(_RISA_WT) - 1)
        wtab = jnp.zeros(dg.shape, jnp.float32)
        for k, v in enumerate(_RISA_WT):
            wtab = jnp.where(sidx == k, jnp.float32(v), wtab)
        eps = jnp.finfo(jnp.float32).eps
        wt = wtab * nw_r[...].reshape(1, _KN)
        wx = wt / (ymx - ymn + eps)
        wy = wt / (xmx - xmn + eps)

        r = lax.broadcasted_iota(jnp.int32, (_NBX, 1), 0).astype(jnp.float32)
        blx = _XL + r * _BSX
        bhx = blx + _BSX
        bly = _YL + r * _BSY
        bhy = bly + _BSY
        oxt = jnp.maximum(jnp.minimum(xmx, bhx) - jnp.maximum(xmn, blx), 0.0)
        oyt = jnp.maximum(jnp.minimum(ymx, bhy) - jnp.maximum(ymn, bly), 0.0)

        oxt_b = oxt.astype(jnp.bfloat16)
        oyt_b = oyt.astype(jnp.bfloat16)
        wx_b = wx.astype(jnp.bfloat16)
        wy_b = wy.astype(jnp.bfloat16)

        @pl.when(i == 0)
        def _():
            acc_r[...] = jnp.zeros_like(acc_r)

        dn = (((1,), (1,)), ((), ()))
        acc_r[:_NBX] += lax.dot_general(
            oxt_b * wx_b, oyt_b, dn, preferred_element_type=jnp.float32)
        acc_r[_NBX:] += lax.dot_general(
            oxt_b * wy_b, oyt_b, dn, preferred_element_type=jnp.float32)

        @pl.when(i == _NBLK_D - 1)
        def _():
            acc = acc_r[...]
            ux = acc[:_NBX] * (1.0 / (_BIN_AREA * _UNIT_H_CAP))
            uy = acc[_NBX:] * (1.0 / (_BIN_AREA * _UNIT_V_CAP))
            u = jnp.clip(jnp.maximum(ux, uy), _MIN_RATE, _MAX_RATE)
            util_r[...] = u
            utilf_r[...] = u.reshape(_NBX * _NBY)


def _demand_tc(xmin, xmax, ymin, ymax, deg, net_w):
    fspec = pl.BlockSpec((_KN,), lambda i: (i,))
    return pl.pallas_call(
        _demand_body,
        grid=(_NBLK_D,),
        in_specs=[fspec] * 6,
        out_specs=[pl.BlockSpec((_NBX, _NBY), lambda i: (0, 0)),
                   pl.BlockSpec((_NBX * _NBY,), lambda i: (0,))],
        out_shape=[jax.ShapeDtypeStruct((_NBX, _NBY), jnp.float32),
                   jax.ShapeDtypeStruct((_NBX * _NBY,), jnp.float32)],
        scratch_shapes=[pltpu.VMEM((2 * _NBX, _NBY), jnp.float32)],
    )(xmin, xmax, ymin, ymax, deg, net_w)


def _instance_body(posx_r, posy_r, nsx_r, nsy_r, util_r, out_r):
    px = posx_r[...].reshape(1, _KB)
    py = posy_r[...].reshape(1, _KB)
    sx = nsx_r[...].reshape(1, _KB)
    sy = nsy_r[...].reshape(1, _KB)
    r = lax.broadcasted_iota(jnp.int32, (_NBX, 1), 0).astype(jnp.float32)
    blx = _XL + r * _BSX
    bly = _YL + r * _BSY
    noxt = jnp.maximum(
        jnp.minimum(px + sx, blx + _BSX) - jnp.maximum(px, blx), 0.0)
    noyt = jnp.maximum(
        jnp.minimum(py + sy, bly + _BSY) - jnp.maximum(py, bly), 0.0)
    a = lax.dot_general(
        util_r[...].astype(jnp.bfloat16), noyt.astype(jnp.bfloat16),
        (((1,), (0,)), ((), ())),
        preferred_element_type=jnp.float32)
    out_r[...] = jnp.sum(noxt * a, axis=0)


def _instance_tc(pos, posy, nsx, nsy, util):
    nspec = pl.BlockSpec((_KB,), lambda i: (i,))
    uspec = pl.BlockSpec((_NBX, _NBY), lambda i: (0, 0))
    return pl.pallas_call(
        _instance_body,
        grid=(_NBLK_I,),
        in_specs=[nspec, nspec, nspec, nspec, uspec],
        out_specs=pl.BlockSpec((_KB,), lambda i: (i,)),
        out_shape=jax.ShapeDtypeStruct((_MOV_TC,), jnp.float32),
    )(pos, posy, nsx, nsy, util)


def _instance_sparsecore(pos, nsx, nsy, util_flat):
    mesh = plsc.VectorSubcoreMesh(core_axis_name="c", subcore_axis_name="s",
                                  num_cores=2, num_subcores=16)

    @functools.partial(
        pl.kernel,
        out_type=jax.ShapeDtypeStruct((_MOV_SC,), jnp.float32),
        mesh=mesh,
        scratch_types=[
            pltpu.VMEM((_NODES_SW,), jnp.float32),
            pltpu.VMEM((_NODES_SW,), jnp.float32),
            pltpu.VMEM((_NODES_SW,), jnp.float32),
            pltpu.VMEM((_NODES_SW,), jnp.float32),
            pltpu.VMEM((_NIDX,), jnp.int32),
            pltpu.VMEM((_NIDX,), jnp.float32),
            pltpu.VMEM((_NIDX,), jnp.float32),
            pltpu.VMEM((_NODES_SW,), jnp.float32),
            pltpu.SemaphoreType.DMA,
        ],
        compiler_params=pltpu.CompilerParams(needs_layout_passes=False),
    )
    def k(pos_hbm, nsx_hbm, nsy_hbm, util_hbm, out_hbm,
          pxv, pyv, sxv, syv, idxv, w9v, valv, outv, sem):
        w = lax.axis_index("c") * 16 + lax.axis_index("s")
        off = jnp.minimum(w * _NODES_SW, _MOV_SC - _NODES_SW)
        pltpu.sync_copy(pos_hbm.at[pl.ds(_MOV_TC + off, _NODES_SW)], pxv)
        pltpu.sync_copy(pos_hbm.at[pl.ds(_NODES + _MOV_TC + off, _NODES_SW)],
                        pyv)
        pltpu.sync_copy(nsx_hbm.at[pl.ds(_MOV_TC + off, _NODES_SW)], sxv)
        pltpu.sync_copy(nsy_hbm.at[pl.ds(_MOV_TC + off, _NODES_SW)], syv)

        nbx = jnp.float32(_NBX)
        nby = jnp.float32(_NBY)

        def pass1(g, c):
            s16 = pl.ds(g * 16, 16)
            px = pxv[s16]
            py = pyv[s16]
            sx = sxv[s16]
            sy = syv[s16]
            bx0 = (px * nbx).astype(jnp.int32)
            by0 = (py * nby).astype(jnp.int32)
            oxs, oys = [], []
            for d in range(3):
                bl = (bx0 + d).astype(jnp.float32) * _BSX
                oxs.append(jnp.maximum(
                    jnp.minimum(px + sx, bl + _BSX) - jnp.maximum(px, bl),
                    0.0))
                bl = (by0 + d).astype(jnp.float32) * _BSY
                oys.append(jnp.maximum(
                    jnp.minimum(py + sy, bl + _BSY) - jnp.maximum(py, bl),
                    0.0))
            base = by0 + bx0 * _NBY
            for dx in range(3):
                for dy in range(3):
                    sl = pl.ds(g * 144 + (dx * 3 + dy) * 16, 16)
                    idxv[sl] = base + (dx * _NBY + dy)
                    w9v[sl] = oxs[dx] * oys[dy]
            return c

        lax.fori_loop(0, _NG_I, pass1, 0)

        def fire(j, c):
            s = pl.ds(j * _ICH, _ICH)
            pltpu.make_async_copy(util_hbm.at[idxv.at[s]], valv.at[s],
                                  sem).start()
            return c

        lax.fori_loop(0, _NICH, fire, 0)

        def drain(j, c):
            s = pl.ds(j * _ICH, _ICH)
            pltpu.make_async_copy(util_hbm.at[idxv.at[s]], valv.at[s],
                                  sem).wait()
            return c

        lax.fori_loop(0, _NICH, drain, 0)

        def pass2(g, c):
            acc = jnp.zeros((16,), jnp.float32)
            for kk in range(9):
                sl = pl.ds(g * 144 + kk * 16, 16)
                acc = acc + w9v[sl] * valv[sl]
            outv[pl.ds(g * 16, 16)] = acc
            return c

        lax.fori_loop(0, _NG_I, pass2, 0)

        pltpu.sync_copy(outv, out_hbm.at[pl.ds(off, _NODES_SW)])

    return k(pos, nsx, nsy, util_flat)


def kernel(pos, pin_pos, node_size_x, node_size_y, net_weights, netpin_start,
           flat_netpin):
    num_pins = pin_pos.shape[0] // 2
    px = pin_pos[:num_pins]
    py = pin_pos[num_pins:]

    fnp_pad = jnp.concatenate(
        [flat_netpin, jnp.arange(_PINS_PAD - _PINS, dtype=jnp.int32)])
    x_min, x_max, y_min, y_max = _bbox_sparsecore(px, py, fnp_pad)

    deg = netpin_start[1:] - netpin_start[:-1]
    deg_pad = jnp.zeros((_NETS_PAD,), jnp.int32).at[:_NETS].set(deg)
    nw_pad = jnp.zeros((_NETS_PAD,), jnp.float32).at[:_NETS].set(net_weights)
    util, util_flat = _demand_tc(x_min, x_max, y_min, y_max, deg_pad, nw_pad)

    out_sc = _instance_sparsecore(pos, node_size_x, node_size_y, util_flat)
    out_tc = _instance_tc(pos, pos[_NODES:], node_size_x, node_size_y, util)
    return jnp.concatenate([out_tc, out_sc])

# --- scband reference (transcript-rebuilt; emitter-appended) ---
"""Pipeline reference for scband-instance-route-optimization-area-42700564857382 (READ-ONLY COPY).

The authoritative reference and input builder live on the scoring server;
editing this copy changes nothing except your own understanding.
"""

import jax, jax.numpy as jnp
import numpy as np

NUM_BINS_X = 256
NUM_BINS_Y = 256
XL, XH, YL, YH = 0.0, 1.0, 0.0, 1.0
NUM_NETS = 20000
NUM_NODES = 25000
NUM_MOVABLE = 20000
DEGREE = 5
NUM_PINS = NUM_NETS * DEGREE
UNIT_H_CAP = 10000.0
UNIT_V_CAP = 10000.0
MAX_RATE = 2.0
MIN_RATE = 1.0 / MAX_RATE
BIN_SIZE_X = (XH - XL) / NUM_BINS_X
BIN_SIZE_Y = (YH - YL) / NUM_BINS_Y

# RISA net wiring distribution map weight table (degree -> weight), as in DREAMPlace
_RISA_DEG = np.array([1, 2, 3, 4, 5, 6, 7, 8, 9, 10, 15, 20, 25, 30, 35, 40, 45], dtype=np.int32)
_RISA_WT = np.array([1.0, 1.0, 1.0, 1.0828, 1.1536, 1.2206, 1.2823, 1.3385, 1.3991,
                     1.4493, 1.6899, 1.8924, 2.0743, 2.2334, 2.3895, 2.5356, 2.6625, 2.7933],
                    dtype=np.float32)

def net_wiring_distribution_map_weight(degree):
    idx = jnp.searchsorted(jnp.asarray(_RISA_DEG), degree, side='left')
    return jnp.asarray(_RISA_WT)[jnp.minimum(idx, len(_RISA_WT) - 1)]


def setup_inputs(seed: int = 0) -> dict:
    key = jax.random.key(seed)
    k1, k2, k3, k4, k5 = jax.random.split(key, 5)
    pos = jax.random.uniform(k1, (2 * NUM_NODES,), jnp.float32, 0.0, 0.98)
    pin_pos = jax.random.uniform(k2, (2 * NUM_PINS,), jnp.float32, 0.0, 1.0)
    node_size_x = jax.random.uniform(k3, (NUM_NODES,), jnp.float32, 0.001, 0.006)
    node_size_y = jax.random.uniform(k4, (NUM_NODES,), jnp.float32, 0.001, 0.006)
    netpin_start = jnp.arange(NUM_NETS + 1, dtype=jnp.int32) * DEGREE
    flat_netpin = jnp.asarray(np.random.RandomState(0).permutation(NUM_PINS).astype(np.int32))
    net_weights = jax.random.uniform(k5, (NUM_NETS,), jnp.float32, 0.5, 1.5)
    return {"pos": pos, "pin_pos": pin_pos, "node_size_x": node_size_x,
            "node_size_y": node_size_y, "net_weights": net_weights,
            "netpin_start": netpin_start, "flat_netpin": flat_netpin}


def _forward(pos, pin_pos, node_size_x, node_size_y, net_weights, netpin_start, flat_netpin):
    eps = jnp.finfo(jnp.float32).eps
    num_pins = pin_pos.shape[0] // 2
    pin_x = pin_pos[:num_pins]
    pin_y = pin_pos[num_pins:]

    # per-net pin gather + bbox via segment reductions (ragged netlist)
    deg = netpin_start[1:] - netpin_start[:-1]
    seg = jnp.repeat(jnp.arange(NUM_NETS), deg, total_repeat_length=num_pins)
    px = pin_x[flat_netpin]
    py = pin_y[flat_netpin]
    x_min = jax.ops.segment_min(px, seg, num_segments=NUM_NETS)
    x_max = jax.ops.segment_max(px, seg, num_segments=NUM_NETS)
    y_min = jax.ops.segment_min(py, seg, num_segments=NUM_NETS)
    y_max = jax.ops.segment_max(py, seg, num_segments=NUM_NETS)

    wt = net_wiring_distribution_map_weight(deg) * net_weights

    bin_xl = XL + jnp.arange(NUM_BINS_X, dtype=jnp.float32) * BIN_SIZE_X
    bin_xh = bin_xl + BIN_SIZE_X
    bin_yl = YL + jnp.arange(NUM_BINS_Y, dtype=jnp.float32) * BIN_SIZE_Y
    bin_yh = bin_yl + BIN_SIZE_Y

    # separable bbox/bin overlaps; rank-1 accumulation over nets == per-bin scatter-add in the C++ kernel
    ox = jnp.maximum(jnp.minimum(x_max[:, None], bin_xh[None, :]) - jnp.maximum(x_min[:, None], bin_xl[None, :]), 0.0)
    oy = jnp.maximum(jnp.minimum(y_max[:, None], bin_yh[None, :]) - jnp.maximum(y_min[:, None], bin_yl[None, :]), 0.0)

    wx = wt / (y_max - y_min + eps)
    wy = wt / (x_max - x_min + eps)
    demand_x = (ox * wx[:, None]).T @ oy  # [num_bins_x, num_bins_y]
    demand_y = (ox * wy[:, None]).T @ oy

    bin_area = BIN_SIZE_X * BIN_SIZE_Y
    util_x = demand_x / (bin_area * UNIT_H_CAP)
    util_y = demand_y / (bin_area * UNIT_V_CAP)
    util = jnp.clip(jnp.maximum(util_x, util_y), MIN_RATE, MAX_RATE)

    # instance route-optimized area: overlap-weighted utilization over covered bins
    pos_x = pos[:NUM_NODES][:NUM_MOVABLE]
    pos_y = pos[NUM_NODES:][:NUM_MOVABLE]
    nx_min = pos_x
    nx_max = pos_x + node_size_x[:NUM_MOVABLE]
    ny_min = pos_y
    ny_max = pos_y + node_size_y[:NUM_MOVABLE]
    nox = jnp.maximum(jnp.minimum(nx_max[:, None], bin_xh[None, :]) - jnp.maximum(nx_min[:, None], bin_xl[None, :]), 0.0)
    noy = jnp.maximum(jnp.minimum(ny_max[:, None], bin_yh[None, :]) - jnp.maximum(ny_min[:, None], bin_yl[None, :]), 0.0)
    instance_route_area = jnp.sum((nox @ util) * noy, axis=1)
    return instance_route_area


def reference(pos, pin_pos, node_size_x, node_size_y, net_weights, netpin_start, flat_netpin):
    return _forward(pos, pin_pos, node_size_x, node_size_y, net_weights, netpin_start, flat_netpin)

if __name__ == "__main__":
    import jax
    _d = setup_inputs()
    print(jax.jit(kernel)(*tuple(_d.values())))

</pallas_src>

<mosaic_0001>
#map = affine_map<(d0, d1) -> (0)>
module attributes {stable_mosaic.version = 14 : i64} {
  func.func @k(%arg0: i32, %arg1: i32, %arg2: memref<50000xf32, #tpu.memory_space<hbm>>, %arg3: memref<25000xf32, #tpu.memory_space<hbm>>, %arg4: memref<25000xf32, #tpu.memory_space<hbm>>, %arg5: memref<65536xf32, #tpu.memory_space<hbm>>, %arg6: memref<9760xf32, #tpu.memory_space<hbm>>, %arg7: memref<320xf32, #tpu.memory_space<vmem>>, %arg8: memref<320xf32, #tpu.memory_space<vmem>>, %arg9: memref<320xf32, #tpu.memory_space<vmem>>, %arg10: memref<320xf32, #tpu.memory_space<vmem>>, %arg11: memref<2880xi32, #tpu.memory_space<vmem>>, %arg12: memref<2880xf32, #tpu.memory_space<vmem>>, %arg13: memref<2880xf32, #tpu.memory_space<vmem>>, %arg14: memref<320xf32, #tpu.memory_space<vmem>>, %arg15: memref<!tpu.dma_semaphore, #tpu.memory_space<semaphore_mem>>) attributes {dimension_semantics = [#tpu.dimension_semantics<core_parallel>, #tpu.dimension_semantics<subcore_parallel>], iteration_bounds = array<i64: 2, 16>, scalar_prefetch = 0 : i64, scratch_operands = 9 : i64, tpu.core_type = #tpu.core_type<sc_vector_subcore>, window_params = [{transform_indices = #map}, {transform_indices = #map}, {transform_indices = #map}, {transform_indices = #map}, {transform_indices = #map}]} {
    %mul3A = arith.constant 16 : i32
    %mul3A_0 = arith.muli %arg0, %mul3A : i32
    %add3A = arith.addi %mul3A_0, %arg1 : i32
    %mul3A_1 = arith.constant 320 : i32
    %mul3A_2 = arith.muli %add3A, %mul3A_1 : i32
    %min3A = arith.constant 9440 : i32
    %min3A_3 = arith.minsi %mul3A_2, %min3A : i32
    %add3A_4 = arith.constant 10240 : i32
    %add3A_5 = arith.addi %add3A_4, %min3A_3 : i32
    "tpu.region"() ({
      %run_scoped3A = tpu.sem_alloc : memref<!tpu.dma_semaphore, #tpu.memory_space<semaphore_mem>>
      %dma_start3A = tpu.memref_slice %arg2[%add3A_5] : memref<50000xf32, #tpu.memory_space<hbm>> -> memref<320xf32, #tpu.memory_space<hbm>>
      %dma_start3A_37 = tpu.memref_slice %arg2[%add3A_5] : memref<50000xf32, #tpu.memory_space<hbm>> -> memref<320xf32, #tpu.memory_space<hbm>>
      tpu.enqueue_dma source(%dma_start3A_37 : memref<320xf32, #tpu.memory_space<hbm>>) target(%arg7 : memref<320xf32, #tpu.memory_space<vmem>>) target_semaphore(%run_scoped3A : memref<!tpu.dma_semaphore, #tpu.memory_space<semaphore_mem>>)
      %dma_wait3A = tpu.memref_slice %arg2[%add3A_5] : memref<50000xf32, #tpu.memory_space<hbm>> -> memref<320xf32, #tpu.memory_space<hbm>>
      %dma_wait3A_38 = tpu.memref_slice %arg2[%add3A_5] : memref<50000xf32, #tpu.memory_space<hbm>> -> memref<320xf32, #tpu.memory_space<hbm>>
      tpu.wait_dma2 semaphore(%run_scoped3A : memref<!tpu.dma_semaphore, #tpu.memory_space<semaphore_mem>>) src(%dma_wait3A_38 : memref<320xf32, #tpu.memory_space<hbm>>) dst(%arg7 : memref<320xf32, #tpu.memory_space<vmem>>)
      tpu.yield
    }) : () -> ()
    %add3A_6 = arith.constant 35240 : i32
    %add3A_7 = arith.addi %add3A_6, %min3A_3 : i32
    "tpu.region"() ({
      %run_scoped3A = tpu.sem_alloc : memref<!tpu.dma_semaphore, #tpu.memory_space<semaphore_mem>>
      %dma_start3A = tpu.memref_slice %arg2[%add3A_7] : memref<50000xf32, #tpu.memory_space<hbm>> -> memref<320xf32, #tpu.memory_space<hbm>>
      %dma_start3A_37 = tpu.memref_slice %arg2[%add3A_7] : memref<50000xf32, #tpu.memory_space<hbm>> -> memref<320xf32, #tpu.memory_space<hbm>>
      tpu.enqueue_dma source(%dma_start3A_37 : memref<320xf32, #tpu.memory_space<hbm>>) target(%arg8 : memref<320xf32, #tpu.memory_space<vmem>>) target_semaphore(%run_scoped3A : memref<!tpu.dma_semaphore, #tpu.memory_space<semaphore_mem>>)
      %dma_wait3A = tpu.memref_slice %arg2[%add3A_7] : memref<50000xf32, #tpu.memory_space<hbm>> -> memref<320xf32, #tpu.memory_space<hbm>>
      %dma_wait3A_38 = tpu.memref_slice %arg2[%add3A_7] : memref<50000xf32, #tpu.memory_space<hbm>> -> memref<320xf32, #tpu.memory_space<hbm>>
      tpu.wait_dma2 semaphore(%run_scoped3A : memref<!tpu.dma_semaphore, #tpu.memory_space<semaphore_mem>>) src(%dma_wait3A_38 : memref<320xf32, #tpu.memory_space<hbm>>) dst(%arg8 : memref<320xf32, #tpu.memory_space<vmem>>)
      tpu.yield
    }) : () -> ()
    %add3A_8 = arith.constant 10240 : i32
    %add3A_9 = arith.addi %add3A_8, %min3A_3 : i32
    "tpu.region"() ({
      %run_scoped3A = tpu.sem_alloc : memref<!tpu.dma_semaphore, #tpu.memory_space<semaphore_mem>>
      %dma_start3A = tpu.memref_slice %arg3[%add3A_9] : memref<25000xf32, #tpu.memory_space<hbm>> -> memref<320xf32, #tpu.memory_space<hbm>>
      %dma_start3A_37 = tpu.memref_slice %arg3[%add3A_9] : memref<25000xf32, #tpu.memory_space<hbm>> -> memref<320xf32, #tpu.memory_space<hbm>>
      tpu.enqueue_dma source(%dma_start3A_37 : memref<320xf32, #tpu.memory_space<hbm>>) target(%arg9 : memref<320xf32, #tpu.memory_space<vmem>>) target_semaphore(%run_scoped3A : memref<!tpu.dma_semaphore, #tpu.memory_space<semaphore_mem>>)
      %dma_wait3A = tpu.memref_slice %arg3[%add3A_9] : memref<25000xf32, #tpu.memory_space<hbm>> -> memref<320xf32, #tpu.memory_space<hbm>>
      %dma_wait3A_38 = tpu.memref_slice %arg3[%add3A_9] : memref<25000xf32, #tpu.memory_space<hbm>> -> memref<320xf32, #tpu.memory_space<hbm>>
      tpu.wait_dma2 semaphore(%run_scoped3A : memref<!tpu.dma_semaphore, #tpu.memory_space<semaphore_mem>>) src(%dma_wait3A_38 : memref<320xf32, #tpu.memory_space<hbm>>) dst(%arg9 : memref<320xf32, #tpu.memory_space<vmem>>)
      tpu.yield
    }) : () -> ()
    %add3A_10 = arith.constant 10240 : i32
    %add3A_11 = arith.addi %add3A_10, %min3A_3 : i32
    "tpu.region"() ({
      %run_scoped3A = tpu.sem_alloc : memref<!tpu.dma_semaphore, #tpu.memory_space<semaphore_mem>>
      %dma_start3A = tpu.memref_slice %arg4[%add3A_11] : memref<25000xf32, #tpu.memory_space<hbm>> -> memref<320xf32, #tpu.memory_space<hbm>>
      %dma_start3A_37 = tpu.memref_slice %arg4[%add3A_11] : memref<25000xf32, #tpu.memory_space<hbm>> -> memref<320xf32, #tpu.memory_space<hbm>>
      tpu.enqueue_dma source(%dma_start3A_37 : memref<320xf32, #tpu.memory_space<hbm>>) target(%arg10 : memref<320xf32, #tpu.memory_space<vmem>>) target_semaphore(%run_scoped3A : memref<!tpu.dma_semaphore, #tpu.memory_space<semaphore_mem>>)
      %dma_wait3A = tpu.memref_slice %arg4[%add3A_11] : memref<25000xf32, #tpu.memory_space<hbm>> -> memref<320xf32, #tpu.memory_space<hbm>>
      %dma_wait3A_38 = tpu.memref_slice %arg4[%add3A_11] : memref<25000xf32, #tpu.memory_space<hbm>> -> memref<320xf32, #tpu.memory_space<hbm>>
      tpu.wait_dma2 semaphore(%run_scoped3A : memref<!tpu.dma_semaphore, #tpu.memory_space<semaphore_mem>>) src(%dma_wait3A_38 : memref<320xf32, #tpu.memory_space<hbm>>) dst(%arg10 : memref<320xf32, #tpu.memory_space<vmem>>)
      tpu.yield
    }) : () -> ()
    %scan3A = arith.constant 0 : i32
    %scan3A_12 = arith.constant 2.560000e+02 : f32
    %scan3A_13 = arith.constant 2.560000e+02 : f32
    %scan3A_14 = arith.constant 0 : i32
    %scan3A_15 = arith.constant 20 : i32
    %scan3A_16 = arith.addi %scan3A_14, %scan3A_15 : i32
    %scan3A_17 = arith.constant 1 : i32
    scf.for %scan3A_37 = %scan3A_14 to %scan3A_16 step %scan3A_17  : i32 {
      %mul3A_38 = arith.constant 16 : i32
      %mul3A_39 = arith.muli %scan3A_37, %mul3A_38 : i32
      %get3A = arith.index_cast %mul3A_39 : i32 to index
      %get3A_40 = tpu.vector_load %arg7[%get3A] {strides = array<i32>} : memref<320xf32, #tpu.memory_space<vmem>>, vector<16xf32>,
      %get3A_41 = arith.index_cast %mul3A_39 : i32 to index
      %get3A_42 = tpu.vector_load %arg8[%get3A_41] {strides = array<i32>} : memref<320xf32, #tpu.memory_space<vmem>>, vector<16xf32>,
      %get3A_43 = arith.index_cast %mul3A_39 : i32 to index
      %get3A_44 = tpu.vector_load %arg9[%get3A_43] {strides = array<i32>} : memref<320xf32, #tpu.memory_space<vmem>>, vector<16xf32>,
      %get3A_45 = arith.index_cast %mul3A_39 : i32 to index
      %get3A_46 = tpu.vector_load %arg10[%get3A_45] {strides = array<i32>} : memref<320xf32, #tpu.memory_space<vmem>>, vector<16xf32>,
      %mul3A_47 = vector.broadcast %scan3A_12 : f32 to vector<16xf32>
      %mul3A_48 = arith.mulf %get3A_40, %mul3A_47 : vector<16xf32>
      %convert_element_type3A = arith.fptosi %mul3A_48 : vector<16xf32> to vector<16xi32>
      %mul3A_49 = vector.broadcast %scan3A_13 : f32 to vector<16xf32>
      %mul3A_50 = arith.mulf %get3A_42, %mul3A_49 : vector<16xf32>
      %convert_element_type3A_51 = arith.fptosi %mul3A_50 : vector<16xf32> to vector<16xi32>
      %add3A_52 = arith.constant 0 : i32
      %add3A_53 = vector.broadcast %add3A_52 : i32 to vector<16xi32>
      %add3A_54 = arith.addi %convert_element_type3A, %add3A_53 : vector<16xi32>
      %convert_element_type3A_55 = arith.sitofp %add3A_54 : vector<16xi32> to vector<16xf32>
      %mul3A_56 = arith.constant 3.906250e-03 : f32
      %mul3A_57 = vector.broadcast %mul3A_56 : f32 to vector<16xf32>
      %mul3A_58 = arith.mulf %convert_element_type3A_55, %mul3A_57 : vector<16xf32>
      %add3A_59 = arith.addf %get3A_40, %get3A_44 : vector<16xf32>
      %add3A_60 = arith.constant 3.906250e-03 : f32
      %add3A_61 = vector.broadcast %add3A_60 : f32 to vector<16xf32>
      %add3A_62 = arith.addf %mul3A_58, %add3A_61 : vector<16xf32>
      %min3A_63 = arith.minimumf %add3A_59, %add3A_62 : vector<16xf32>
      %max3A = arith.maximumf %get3A_40, %mul3A_58 : vector<16xf32>
      %sub3A = arith.subf %min3A_63, %max3A : vector<16xf32>
      %max3A_64 = arith.constant 0.000000e+00 : f32
      %max3A_65 = vector.broadcast %max3A_64 : f32 to vector<16xf32>
      %max3A_66 = arith.maximumf %sub3A, %max3A_65 : vector<16xf32>
      %add3A_67 = arith.constant 0 : i32
      %add3A_68 = vector.broadcast %add3A_67 : i32 to vector<16xi32>
      %add3A_69 = arith.addi %convert_element_type3A_51, %add3A_68 : vector<16xi32>
      %convert_element_type3A_70 = arith.sitofp %add3A_69 : vector<16xi32> to vector<16xf32>
      %mul3A_71 = arith.constant 3.906250e-03 : f32
      %mul3A_72 = vector.broadcast %mul3A_71 : f32 to vector<16xf32>
      %mul3A_73 = arith.mulf %convert_element_type3A_70, %mul3A_72 : vector<16xf32>
      %add3A_74 = arith.addf %get3A_42, %get3A_46 : vector<16xf32>
      %add3A_75 = arith.constant 3.906250e-03 : f32
      %add3A_76 = vector.broadcast %add3A_75 : f32 to vector<16xf32>
      %add3A_77 = arith.addf %mul3A_73, %add3A_76 : vector<16xf32>
      %min3A_78 = arith.minimumf %add3A_74, %add3A_77 : vector<16xf32>
      %max3A_79 = arith.maximumf %get3A_42, %mul3A_73 : vector<16xf32>
      %sub3A_80 = arith.subf %min3A_78, %max3A_79 : vector<16xf32>
      %max3A_81 = arith.constant 0.000000e+00 : f32
      %max3A_82 = vector.broadcast %max3A_81 : f32 to vector<16xf32>
      %max3A_83 = arith.maximumf %sub3A_80, %max3A_82 : vector<16xf32>
      %add3A_84 = arith.constant 1 : i32
      %add3A_85 = vector.broadcast %add3A_84 : i32 to vector<16xi32>
      %add3A_86 = arith.addi %convert_element_type3A, %add3A_85 : vector<16xi32>
      %convert_element_type3A_87 = arith.sitofp %add3A_86 : vector<16xi32> to vector<16xf32>
      %mul3A_88 = arith.constant 3.906250e-03 : f32
      %mul3A_89 = vector.broadcast %mul3A_88 : f32 to vector<16xf32>
      %mul3A_90 = arith.mulf %convert_element_type3A_87, %mul3A_89 : vector<16xf32>
      %add3A_91 = arith.addf %get3A_40, %get3A_44 : vector<16xf32>
      %add3A_92 = arith.constant 3.906250e-03 : f32
      %add3A_93 = vector.broadcast %add3A_92 : f32 to vector<16xf32>
      %add3A_94 = arith.addf %mul3A_90, %add3A_93 : vector<16xf32>
      %min3A_95 = arith.minimumf %add3A_91, %add3A_94 : vector<16xf32>
      %max3A_96 = arith.maximumf %get3A_40, %mul3A_90 : vector<16xf32>
      %sub3A_97 = arith.subf %min3A_95, %max3A_96 : vector<16xf32>
      %max3A_98 = arith.constant 0.000000e+00 : f32
      %max3A_99 = vector.broadcast %max3A_98 : f32 to vector<16xf32>
      %max3A_100 = arith.maximumf %sub3A_97, %max3A_99 : vector<16xf32>
      %add3A_101 = arith.constant 1 : i32
      %add3A_102 = vector.broadcast %add3A_101 : i32 to vector<16xi32>
      %add3A_103 = arith.addi %convert_element_type3A_51, %add3A_102 : vector<16xi32>
      %convert_element_type3A_104 = arith.sitofp %add3A_103 : vector<16xi32> to vector<16xf32>
      %mul3A_105 = arith.constant 3.906250e-03 : f32
      %mul3A_106 = vector.broadcast %mul3A_105 : f32 to vector<16xf32>
      %mul3A_107 = arith.mulf %convert_element_type3A_104, %mul3A_106 : vector<16xf32>
      %add3A_108 = arith.addf %get3A_42, %get3A_46 : vector<16xf32>
      %add3A_109 = arith.constant 3.906250e-03 : f32
      %add3A_110 = vector.broadcast %add3A_109 : f32 to vector<16xf32>
      %add3A_111 = arith.addf %mul3A_107, %add3A_110 : vector<16xf32>
      %min3A_112 = arith.minimumf %add3A_108, %add3A_111 : vector<16xf32>
      %max3A_113 = arith.maximumf %get3A_42, %mul3A_107 : vector<16xf32>
      %sub3A_114 = arith.subf %min3A_112, %max3A_113 : vector<16xf32>
      %max3A_115 = arith.constant 0.000000e+00 : f32
      %max3A_116 = vector.broadcast %max3A_115 : f32 to vector<16xf32>
      %max3A_117 = arith.maximumf %sub3A_114, %max3A_116 : vector<16xf32>
      %add3A_118 = arith.constant 2 : i32
      %add3A_119 = vector.broadcast %add3A_118 : i32 to vector<16xi32>
      %add3A_120 = arith.addi %convert_element_type3A, %add3A_119 : vector<16xi32>
      %convert_element_type3A_121 = arith.sitofp %add3A_120 : vector<16xi32> to vector<16xf32>
      %mul3A_122 = arith.constant 3.906250e-03 : f32
      %mul3A_123 = vector.broadcast %mul3A_122 : f32 to vector<16xf32>
      %mul3A_124 = arith.mulf %convert_element_type3A_121, %mul3A_123 : vector<16xf32>
      %add3A_125 = arith.addf %get3A_40, %get3A_44 : vector<16xf32>
      %add3A_126 = arith.constant 3.906250e-03 : f32
      %add3A_127 = vector.broadcast %add3A_126 : f32 to vector<16xf32>
      %add3A_128 = arith.addf %mul3A_124, %add3A_127 : vector<16xf32>
      %min3A_129 = arith.minimumf %add3A_125, %add3A_128 : vector<16xf32>
      %max3A_130 = arith.maximumf %get3A_40, %mul3A_124 : vector<16xf32>
      %sub3A_131 = arith.subf %min3A_129, %max3A_130 : vector<16xf32>
      %max3A_132 = arith.constant 0.000000e+00 : f32
      %max3A_133 = vector.broadcast %max3A_132 : f32 to vector<16xf32>
      %max3A_134 = arith.maximumf %sub3A_131, %max3A_133 : vector<16xf32>
      %add3A_135 = arith.constant 2 : i32
      %add3A_136 = vector.broadcast %add3A_135 : i32 to vector<16xi32>
      %add3A_137 = arith.addi %convert_element_type3A_51, %add3A_136 : vector<16xi32>
      %convert_element_type3A_138 = arith.sitofp %add3A_137 : vector<16xi32> to vector<16xf32>
      %mul3A_139 = arith.constant 3.906250e-03 : f32
      %mul3A_140 = vector.broadcast %mul3A_139 : f32 to vector<16xf32>
      %mul3A_141 = arith.mulf %convert_element_type3A_138, %mul3A_140 : vector<16xf32>
      %add3A_142 = arith.addf %get3A_42, %get3A_46 : vector<16xf32>
      %add3A_143 = arith.constant 3.906250e-03 : f32
      %add3A_144 = vector.broadcast %add3A_143 : f32 to vector<16xf32>
      %add3A_145 = arith.addf %mul3A_141, %add3A_144 : vector<16xf32>
      %min3A_146 = arith.minimumf %add3A_142, %add3A_145 : vector<16xf32>
      %max3A_147 = arith.maximumf %get3A_42, %mul3A_141 : vector<16xf32>
      %sub3A_148 = arith.subf %min3A_146, %max3A_147 : vector<16xf32>
      %max3A_149 = arith.constant 0.000000e+00 : f32
      %max3A_150 = vector.broadcast %max3A_149 : f32 to vector<16xf32>
      %max3A_151 = arith.maximumf %sub3A_148, %max3A_150 : vector<16xf32>
      %mul3A_152 = arith.constant 256 : i32
      %mul3A_153 = vector.broadcast %mul3A_152 : i32 to vector<16xi32>
      %mul3A_154 = arith.muli %convert_element_type3A, %mul3A_153 : vector<16xi32>
      %add3A_155 = arith.addi %convert_element_type3A_51, %mul3A_154 : vector<16xi32>
      %mul3A_156 = arith.constant 144 : i32
      %mul3A_157 = arith.muli %scan3A_37, %mul3A_156 : i32
      %add3A_158 = arith.constant 0 : i32
      %add3A_159 = arith.addi %mul3A_157, %add3A_158 : i32
      %add3A_160 = arith.constant 0 : i32
      %add3A_161 = vector.broadcast %add3A_160 : i32 to vector<16xi32>
      %add3A_162 = arith.addi %add3A_155, %add3A_161 : vector<16xi32>
      %swap3A = arith.index_cast %add3A_159 : i32 to index
      %swap3A_163 = tpu.vector_load %arg11[%swap3A] {strides = array<i32>} : memref<2880xi32, #tpu.memory_space<vmem>>, vector<16xi32>,
      tpu.vector_store %arg11[%swap3A], %add3A_162 {strides = array<i32>} : memref<2880xi32, #tpu.memory_space<vmem>>, vector<16xi32>,
      %mul3A_164 = arith.mulf %max3A_66, %max3A_83 : vector<16xf32>
      %swap3A_165 = arith.index_cast %add3A_159 : i32 to index
      %swap3A_166 = tpu.vector_load %arg12[%swap3A_165] {strides = array<i32>} : memref<2880xf32, #tpu.memory_space<vmem>>, vector<16xf32>,
      tpu.vector_store %arg12[%swap3A_165], %mul3A_164 {strides = array<i32>} : memref<2880xf32, #tpu.memory_space<vmem>>, vector<16xf32>,
      %mul3A_167 = arith.constant 144 : i32
      %mul3A_168 = arith.muli %scan3A_37, %mul3A_167 : i32
      %add3A_169 = arith.constant 16 : i32
      %add3A_170 = arith.addi %mul3A_168, %add3A_169 : i32
      %add3A_171 = arith.constant 1 : i32
      %add3A_172 = vector.broadcast %add3A_171 : i32 to vector<16xi32>
      %add3A_173 = arith.addi %add3A_155, %add3A_172 : vector<16xi32>
      %swap3A_174 = arith.index_cast %add3A_170 : i32 to index
      %swap3A_175 = tpu.vector_load %arg11[%swap3A_174] {strides = array<i32>} : memref<2880xi32, #tpu.memory_space<vmem>>, vector<16xi32>,
      tpu.vector_store %arg11[%swap3A_174], %add3A_173 {strides = array<i32>} : memref<2880xi32, #tpu.memory_space<vmem>>, vector<16xi32>,
      %mul3A_176 = arith.mulf %max3A_66, %max3A_117 : vector<16xf32>
      %swap3A_177 = arith.index_cast %add3A_170 : i32 to index
      %swap3A_178 = tpu.vector_load %arg12[%swap3A_177] {strides = array<i32>} : memref<2880xf32, #tpu.memory_space<vmem>>, vector<16xf32>,
      tpu.vector_store %arg12[%swap3A_177], %mul3A_176 {strides = array<i32>} : memref<2880xf32, #tpu.memory_space<vmem>>, vector<16xf32>,
      %mul3A_179 = arith.constant 144 : i32
      %mul3A_180 = arith.muli %scan3A_37, %mul3A_179 : i32
      %add3A_181 = arith.constant 32 : i32
      %add3A_182 = arith.addi %mul3A_180, %add3A_181 : i32
      %add3A_183 = arith.constant 2 : i32
      %add3A_184 = vector.broadcast %add3A_183 : i32 to vector<16xi32>
      %add3A_185 = arith.addi %add3A_155, %add3A_184 : vector<16xi32>
      %swap3A_186 = arith.index_cast %add3A_182 : i32 to index
      %swap3A_187 = tpu.vector_load %arg11[%swap3A_186] {strides = array<i32>} : memref<2880xi32, #tpu.memory_space<vmem>>, vector<16xi32>,
      tpu.vector_store %arg11[%swap3A_186], %add3A_185 {strides = array<i32>} : memref<2880xi32, #tpu.memory_space<vmem>>, vector<16xi32>,
      %mul3A_188 = arith.mulf %max3A_66, %max3A_151 : vector<16xf32>
      %swap3A_189 = arith.index_cast %add3A_182 : i32 to index
      %swap3A_190 = tpu.vector_load %arg12[%swap3A_189] {strides = array<i32>} : memref<2880xf32, #tpu.memory_space<vmem>>, vector<16xf32>,
      tpu.vector_store %arg12[%swap3A_189], %mul3A_188 {strides = array<i32>} : memref<2880xf32, #tpu.memory_space<vmem>>, vector<16xf32>,
      %mul3A_191 = arith.constant 144 : i32
      %mul3A_192 = arith.muli %scan3A_37, %mul3A_191 : i32
      %add3A_193 = arith.constant 48 : i32
      %add3A_194 = arith.addi %mul3A_192, %add3A_193 : i32
      %add3A_195 = arith.constant 256 : i32
      %add3A_196 = vector.broadcast %add3A_195 : i32 to vector<16xi32>
      %add3A_197 = arith.addi %add3A_155, %add3A_196 : vector<16xi32>
      %swap3A_198 = arith.index_cast %add3A_194 : i32 to index
      %swap3A_199 = tpu.vector_load %arg11[%swap3A_198] {strides = array<i32>} : memref<2880xi32, #tpu.memory_space<vmem>>, vector<16xi32>,
      tpu.vector_store %arg11[%swap3A_198], %add3A_197 {strides = array<i32>} : memref<2880xi32, #tpu.memory_space<vmem>>, vector<16xi32>,
      %mul3A_200 = arith.mulf %max3A_100, %max3A_83 : vector<16xf32>
      %swap3A_201 = arith.index_cast %add3A_194 : i32 to index
      %swap3A_202 = tpu.vector_load %arg12[%swap3A_201] {strides = array<i32>} : memref<2880xf32, #tpu.memory_space<vmem>>, vector<16xf32>,
      tpu.vector_store %arg12[%swap3A_201], %mul3A_200 {strides = array<i32>} : memref<2880xf32, #tpu.memory_space<vmem>>, vector<16xf32>,
      %mul3A_203 = arith.constant 144 : i32
      %mul3A_204 = arith.muli %scan3A_37, %mul3A_203 : i32
      %add3A_205 = arith.constant 64 : i32
      %add3A_206 = arith.addi %mul3A_204, %add3A_205 : i32
      %add3A_207 = arith.constant 257 : i32
      %add3A_208 = vector.broadcast %add3A_207 : i32 to vector<16xi32>
      %add3A_209 = arith.addi %add3A_155, %add3A_208 : vector<16xi32>
      %swap3A_210 = arith.index_cast %add3A_206 : i32 to index
      %swap3A_211 = tpu.vector_load %arg11[%swap3A_210] {strides = array<i32>} : memref<2880xi32, #tpu.memory_space<vmem>>, vector<16xi32>,
      tpu.vector_store %arg11[%swap3A_210], %add3A_209 {strides = array<i32>} : memref<2880xi32, #tpu.memory_space<vmem>>, vector<16xi32>,
      %mul3A_212 = arith.mulf %max3A_100, %max3A_117 : vector<16xf32>
      %swap3A_213 = arith.index_cast %add3A_206 : i32 to index
      %swap3A_214 = tpu.vector_load %arg12[%swap3A_213] {strides = array<i32>} : memref<2880xf32, #tpu.memory_space<vmem>>, vector<16xf32>,
      tpu.vector_store %arg12[%swap3A_213], %mul3A_212 {strides = array<i32>} : memref<2880xf32, #tpu.memory_space<vmem>>, vector<16xf32>,
      %mul3A_215 = arith.constant 144 : i32
      %mul3A_216 = arith.muli %scan3A_37, %mul3A_215 : i32
      %add3A_217 = arith.constant 80 : i32
      %add3A_218 = arith.addi %mul3A_216, %add3A_217 : i32
      %add3A_219 = arith.constant 258 : i32
      %add3A_220 = vector.broadcast %add3A_219 : i32 to vector<16xi32>
      %add3A_221 = arith.addi %add3A_155, %add3A_220 : vector<16xi32>
      %swap3A_222 = arith.index_cast %add3A_218 : i32 to index
      %swap3A_223 = tpu.vector_load %arg11[%swap3A_222] {strides = array<i32>} : memref<2880xi32, #tpu.memory_space<vmem>>, vector<16xi32>,
      tpu.vector_store %arg11[%swap3A_222], %add3A_221 {strides = array<i32>} : memref<2880xi32, #tpu.memory_space<vmem>>, vector<16xi32>,
      %mul3A_224 = arith.mulf %max3A_100, %max3A_151 : vector<16xf32>
      %swap3A_225 = arith.index_cast %add3A_218 : i32 to index
      %swap3A_226 = tpu.vector_load %arg12[%swap3A_225] {strides = array<i32>} : memref<2880xf32, #tpu.memory_space<vmem>>, vector<16xf32>,
      tpu.vector_store %arg12[%swap3A_225], %mul3A_224 {strides = array<i32>} : memref<2880xf32, #tpu.memory_space<vmem>>, vector<16xf32>,
      %mul3A_227 = arith.constant 144 : i32
      %mul3A_228 = arith.muli %scan3A_37, %mul3A_227 : i32
      %add3A_229 = arith.constant 96 : i32
      %add3A_230 = arith.addi %mul3A_228, %add3A_229 : i32
      %add3A_231 = arith.constant 512 : i32
      %add3A_232 = vector.broadcast %add3A_231 : i32 to vector<16xi32>
      %add3A_233 = arith.addi %add3A_155, %add3A_232 : vector<16xi32>
      %swap3A_234 = arith.index_cast %add3A_230 : i32 to index
      %swap3A_235 = tpu.vector_load %arg11[%swap3A_234] {strides = array<i32>} : memref<2880xi32, #tpu.memory_space<vmem>>, vector<16xi32>,
      tpu.vector_store %arg11[%swap3A_234], %add3A_233 {strides = array<i32>} : memref<2880xi32, #tpu.memory_space<vmem>>, vector<16xi32>,
      %mul3A_236 = arith.mulf %max3A_134, %max3A_83 : vector<16xf32>
      %swap3A_237 = arith.index_cast %add3A_230 : i32 to index
      %swap3A_238 = tpu.vector_load %arg12[%swap3A_237] {strides = array<i32>} : memref<2880xf32, #tpu.memory_space<vmem>>, vector<16xf32>,
      tpu.vector_store %arg12[%swap3A_237], %mul3A_236 {strides = array<i32>} : memref<2880xf32, #tpu.memory_space<vmem>>, vector<16xf32>,
      %mul3A_239 = arith.constant 144 : i32
      %mul3A_240 = arith.muli %scan3A_37, %mul3A_239 : i32
      %add3A_241 = arith.constant 112 : i32
      %add3A_242 = arith.addi %mul3A_240, %add3A_241 : i32
      %add3A_243 = arith.constant 513 : i32
      %add3A_244 = vector.broadcast %add3A_243 : i32 to vector<16xi32>
      %add3A_245 = arith.addi %add3A_155, %add3A_244 : vector<16xi32>
      %swap3A_246 = arith.index_cast %add3A_242 : i32 to index
      %swap3A_247 = tpu.vector_load %arg11[%swap3A_246] {strides = array<i32>} : memref<2880xi32, #tpu.memory_space<vmem>>, vector<16xi32>,
      tpu.vector_store %arg11[%swap3A_246], %add3A_245 {strides = array<i32>} : memref<2880xi32, #tpu.memory_space<vmem>>, vector<16xi32>,
      %mul3A_248 = arith.mulf %max3A_134, %max3A_117 : vector<16xf32>
      %swap3A_249 = arith.index_cast %add3A_242 : i32 to index
      %swap3A_250 = tpu.vector_load %arg12[%swap3A_249] {strides = array<i32>} : memref<2880xf32, #tpu.memory_space<vmem>>, vector<16xf32>,
      tpu.vector_store %arg12[%swap3A_249], %mul3A_248 {strides = array<i32>} : memref<2880xf32, #tpu.memory_space<vmem>>, vector<16xf32>,
      %mul3A_251 = arith.constant 144 : i32
      %mul3A_252 = arith.muli %scan3A_37, %mul3A_251 : i32
      %add3A_253 = arith.constant 128 : i32
      %add3A_254 = arith.addi %mul3A_252, %add3A_253 : i32
      %add3A_255 = arith.constant 514 : i32
      %add3A_256 = vector.broadcast %add3A_255 : i32 to vector<16xi32>
      %add3A_257 = arith.addi %add3A_155, %add3A_256 : vector<16xi32>
      %swap3A_258 = arith.index_cast %add3A_254 : i32 to index
      %swap3A_259 = tpu.vector_load %arg11[%swap3A_258] {strides = array<i32>} : memref<2880xi32, #tpu.memory_space<vmem>>, vector<16xi32>,
      tpu.vector_store %arg11[%swap3A_258], %add3A_257 {strides = array<i32>} : memref<2880xi32, #tpu.memory_space<vmem>>, vector<16xi32>,
      %mul3A_260 = arith.mulf %max3A_134, %max3A_151 : vector<16xf32>
      %swap3A_261 = arith.index_cast %add3A_254 : i32 to index
      %swap3A_262 = tpu.vector_load %arg12[%swap3A_261] {strides = array<i32>} : memref<2880xf32, #tpu.memory_space<vmem>>, vector<16xf32>,
      tpu.vector_store %arg12[%swap3A_261], %mul3A_260 {strides = array<i32>} : memref<2880xf32, #tpu.memory_space<vmem>>, vector<16xf32>,
    }
    %scan3A_18 = arith.constant 20 : i32
    %scan3A_19 = arith.constant 0 : i32
    %scan3A_20 = arith.constant 0 : i32
    %scan3A_21 = arith.constant 24 : i32
    %scan3A_22 = arith.addi %scan3A_20, %scan3A_21 : i32
    %scan3A_23 = arith.constant 1 : i32
    scf.for %scan3A_37 = %scan3A_20 to %scan3A_22 step %scan3A_23  : i32 {
      %mul3A_38 = arith.constant 120 : i32
      %mul3A_39 = arith.muli %scan3A_37, %mul3A_38 : i32
      %dma_start3A = tpu.memref_slice %arg13[%mul3A_39] : memref<2880xf32, #tpu.memory_space<vmem>> -> memref<120xf32, #tpu.memory_space<vmem>>
      %dma_start3A_40 = tpu.memref_slice %arg11[%mul3A_39] : memref<2880xi32, #tpu.memory_space<vmem>> -> memref<120xi32, #tpu.memory_space<vmem>>
      %dma_start3A_41 = arith.constant 0 : i32
      %dma_start3A_42 = tpu.memref_slice %arg5[%dma_start3A_41] : memref<65536xf32, #tpu.memory_space<hbm>> -> memref<65536xf32, #tpu.memory_space<hbm>>
      tpu.enqueue_indirect_dma source(%dma_start3A_42 : memref<65536xf32, #tpu.memory_space<hbm>>) target(%dma_start3A : memref<120xf32, #tpu.memory_space<vmem>>) offsets(%dma_start3A_40 : memref<120xi32, #tpu.memory_space<vmem>>) semaphore(%arg15 : memref<!tpu.dma_semaphore, #tpu.memory_space<semaphore_mem>>)
    }
    %scan3A_24 = arith.constant 24 : i32
    %scan3A_25 = arith.constant 0 : i32
    %scan3A_26 = arith.constant 0 : i32
    %scan3A_27 = arith.constant 24 : i32
    %scan3A_28 = arith.addi %scan3A_26, %scan3A_27 : i32
    %scan3A_29 = arith.constant 1 : i32
    scf.for %scan3A_37 = %scan3A_26 to %scan3A_28 step %scan3A_29  : i32 {
      %mul3A_38 = arith.constant 120 : i32
      %mul3A_39 = arith.muli %scan3A_37, %mul3A_38 : i32
      %dma_wait3A = tpu.memref_slice %arg13[%mul3A_39] : memref<2880xf32, #tpu.memory_space<vmem>> -> memref<120xf32, #tpu.memory_space<vmem>>
      %dma_wait3A_40 = tpu.memref_slice %arg11[%mul3A_39] : memref<2880xi32, #tpu.memory_space<vmem>> -> memref<120xi32, #tpu.memory_space<vmem>>
      %dma_wait3A_41 = arith.constant 0 : i32
      %dma_wait3A_42 = tpu.memref_slice %arg5[%dma_wait3A_41] : memref<65536xf32, #tpu.memory_space<hbm>> -> memref<65536xf32, #tpu.memory_space<hbm>>
      tpu.wait_indirect_dma semaphore(%arg15 : memref<!tpu.dma_semaphore, #tpu.memory_space<semaphore_mem>>) src(%dma_wait3A_42 : memref<65536xf32, #tpu.memory_space<hbm>>) dst(%dma_wait3A : memref<120xf32, #tpu.memory_space<vmem>>)
    }
    %scan3A_30 = arith.constant 24 : i32
    %scan3A_31 = arith.constant 0 : i32
    %scan3A_32 = arith.constant 0 : i32
    %scan3A_33 = arith.constant 20 : i32
    %scan3A_34 = arith.addi %scan3A_32, %scan3A_33 : i32
    %scan3A_35 = arith.constant 1 : i32
    scf.for %scan3A_37 = %scan3A_32 to %scan3A_34 step %scan3A_35  : i32 {
      %broadcast_in_dim3A = arith.constant 0.000000e+00 : f32
      %broadcast_in_dim3A_38 = vector.broadcast %broadcast_in_dim3A : f32 to vector<16xf32>
      %mul3A_39 = arith.constant 144 : i32
      %mul3A_40 = arith.muli %scan3A_37, %mul3A_39 : i32
      %add3A_41 = arith.constant 0 : i32
      %add3A_42 = arith.addi %mul3A_40, %add3A_41 : i32
      %get3A = arith.index_cast %add3A_42 : i32 to index
      %get3A_43 = tpu.vector_load %arg12[%get3A] {strides = array<i32>} : memref<2880xf32, #tpu.memory_space<vmem>>, vector<16xf32>,
      %get3A_44 = arith.index_cast %add3A_42 : i32 to index
      %get3A_45 = tpu.vector_load %arg13[%get3A_44] {strides = array<i32>} : memref<2880xf32, #tpu.memory_space<vmem>>, vector<16xf32>,
      %mul3A_46 = arith.mulf %get3A_43, %get3A_45 : vector<16xf32>
      %add3A_47 = arith.addf %broadcast_in_dim3A_38, %mul3A_46 : vector<16xf32>
      %mul3A_48 = arith.constant 144 : i32
      %mul3A_49 = arith.muli %scan3A_37, %mul3A_48 : i32
      %add3A_50 = arith.constant 16 : i32
      %add3A_51 = arith.addi %mul3A_49, %add3A_50 : i32
      %get3A_52 = arith.index_cast %add3A_51 : i32 to index
      %get3A_53 = tpu.vector_load %arg12[%get3A_52] {strides = array<i32>} : memref<2880xf32, #tpu.memory_space<vmem>>, vector<16xf32>,
      %get3A_54 = arith.index_cast %add3A_51 : i32 to index
      %get3A_55 = tpu.vector_load %arg13[%get3A_54] {strides = array<i32>} : memref<2880xf32, #tpu.memory_space<vmem>>, vector<16xf32>,
      %mul3A_56 = arith.mulf %get3A_53, %get3A_55 : vector<16xf32>
      %add3A_57 = arith.addf %add3A_47, %mul3A_56 : vector<16xf32>
      %mul3A_58 = arith.constant 144 : i32
      %mul3A_59 = arith.muli %scan3A_37, %mul3A_58 : i32
      %add3A_60 = arith.constant 32 : i32
      %add3A_61 = arith.addi %mul3A_59, %add3A_60 : i32
      %get3A_62 = arith.index_cast %add3A_61 : i32 to index
      %get3A_63 = tpu.vector_load %arg12[%get3A_62] {strides = array<i32>} : memref<2880xf32, #tpu.memory_space<vmem>>, vector<16xf32>,
      %get3A_64 = arith.index_cast %add3A_61 : i32 to index
      %get3A_65 = tpu.vector_load %arg13[%get3A_64] {strides = array<i32>} : memref<2880xf32, #tpu.memory_space<vmem>>, vector<16xf32>,
      %mul3A_66 = arith.mulf %get3A_63, %get3A_65 : vector<16xf32>
      %add3A_67 = arith.addf %add3A_57, %mul3A_66 : vector<16xf32>
      %mul3A_68 = arith.constant 144 : i32
      %mul3A_69 = arith.muli %scan3A_37, %mul3A_68 : i32
      %add3A_70 = arith.constant 48 : i32
      %add3A_71 = arith.addi %mul3A_69, %add3A_70 : i32
      %get3A_72 = arith.index_cast %add3A_71 : i32 to index
      %get3A_73 = tpu.vector_load %arg12[%get3A_72] {strides = array<i32>} : memref<2880xf32, #tpu.memory_space<vmem>>, vector<16xf32>,
      %get3A_74 = arith.index_cast %add3A_71 : i32 to index
      %get3A_75 = tpu.vector_load %arg13[%get3A_74] {strides = array<i32>} : memref<2880xf32, #tpu.memory_space<vmem>>, vector<16xf32>,
      %mul3A_76 = arith.mulf %get3A_73, %get3A_75 : vector<16xf32>
      %add3A_77 = arith.addf %add3A_67, %mul3A_76 : vector<16xf32>
      %mul3A_78 = arith.constant 144 : i32
      %mul3A_79 = arith.muli %scan3A_37, %mul3A_78 : i32
      %add3A_80 = arith.constant 64 : i32
      %add3A_81 = arith.addi %mul3A_79, %add3A_80 : i32
      %get3A_82 = arith.index_cast %add3A_81 : i32 to index
      %get3A_83 = tpu.vector_load %arg12[%get3A_82] {strides = array<i32>} : memref<2880xf32, #tpu.memory_space<vmem>>, vector<16xf32>,
      %get3A_84 = arith.index_cast %add3A_81 : i32 to index
      %get3A_85 = tpu.vector_load %arg13[%get3A_84] {strides = array<i32>} : memref<2880xf32, #tpu.memory_space<vmem>>, vector<16xf32>,
      %mul3A_86 = arith.mulf %get3A_83, %get3A_85 : vector<16xf32>
      %add3A_87 = arith.addf %add3A_77, %mul3A_86 : vector<16xf32>
      %mul3A_88 = arith.constant 144 : i32
      %mul3A_89 = arith.muli %scan3A_37, %mul3A_88 : i32
      %add3A_90 = arith.constant 80 : i32
      %add3A_91 = arith.addi %mul3A_89, %add3A_90 : i32
      %get3A_92 = arith.index_cast %add3A_91 : i32 to index
      %get3A_93 = tpu.vector_load %arg12[%get3A_92] {strides = array<i32>} : memref<2880xf32, #tpu.memory_space<vmem>>, vector<16xf32>,
      %get3A_94 = arith.index_cast %add3A_91 : i32 to index
      %get3A_95 = tpu.vector_load %arg13[%get3A_94] {strides = array<i32>} : memref<2880xf32, #tpu.memory_space<vmem>>, vector<16xf32>,
      %mul3A_96 = arith.mulf %get3A_93, %get3A_95 : vector<16xf32>
      %add3A_97 = arith.addf %add3A_87, %mul3A_96 : vector<16xf32>
      %mul3A_98 = arith.constant 144 : i32
      %mul3A_99 = arith.muli %scan3A_37, %mul3A_98 : i32
      %add3A_100 = arith.constant 96 : i32
      %add3A_101 = arith.addi %mul3A_99, %add3A_100 : i32
      %get3A_102 = arith.index_cast %add3A_101 : i32 to index
      %get3A_103 = tpu.vector_load %arg12[%get3A_102] {strides = array<i32>} : memref<2880xf32, #tpu.memory_space<vmem>>, vector<16xf32>,
      %get3A_104 = arith.index_cast %add3A_101 : i32 to index
      %get3A_105 = tpu.vector_load %arg13[%get3A_104] {strides = array<i32>} : memref<2880xf32, #tpu.memory_space<vmem>>, vector<16xf32>,
      %mul3A_106 = arith.mulf %get3A_103, %get3A_105 : vector<16xf32>
      %add3A_107 = arith.addf %add3A_97, %mul3A_106 : vector<16xf32>
      %mul3A_108 = arith.constant 144 : i32
      %mul3A_109 = arith.muli %scan3A_37, %mul3A_108 : i32
      %add3A_110 = arith.constant 112 : i32
      %add3A_111 = arith.addi %mul3A_109, %add3A_110 : i32
      %get3A_112 = arith.index_cast %add3A_111 : i32 to index
      %get3A_113 = tpu.vector_load %arg12[%get3A_112] {strides = array<i32>} : memref<2880xf32, #tpu.memory_space<vmem>>, vector<16xf32>,
      %get3A_114 = arith.index_cast %add3A_111 : i32 to index
      %get3A_115 = tpu.vector_load %arg13[%get3A_114] {strides = array<i32>} : memref<2880xf32, #tpu.memory_space<vmem>>, vector<16xf32>,
      %mul3A_116 = arith.mulf %get3A_113, %get3A_115 : vector<16xf32>
      %add3A_117 = arith.addf %add3A_107, %mul3A_116 : vector<16xf32>
      %mul3A_118 = arith.constant 144 : i32
      %mul3A_119 = arith.muli %scan3A_37, %mul3A_118 : i32
      %add3A_120 = arith.constant 128 : i32
      %add3A_121 = arith.addi %mul3A_119, %add3A_120 : i32
      %get3A_122 = arith.index_cast %add3A_121 : i32 to index
      %get3A_123 = tpu.vector_load %arg12[%get3A_122] {strides = array<i32>} : memref<2880xf32, #tpu.memory_space<vmem>>, vector<16xf32>,
      %get3A_124 = arith.index_cast %add3A_121 : i32 to index
      %get3A_125 = tpu.vector_load %arg13[%get3A_124] {strides = array<i32>} : memref<2880xf32, #tpu.memory_space<vmem>>, vector<16xf32>,
      %mul3A_126 = arith.mulf %get3A_123, %get3A_125 : vector<16xf32>
      %add3A_127 = arith.addf %add3A_117, %mul3A_126 : vector<16xf32>
      %mul3A_128 = arith.constant 16 : i32
      %mul3A_129 = arith.muli %scan3A_37, %mul3A_128 : i32
      %swap3A = arith.index_cast %mul3A_129 : i32 to index
      %swap3A_130 = tpu.vector_load %arg14[%swap3A] {strides = array<i32>} : memref<320xf32, #tpu.memory_space<vmem>>, vector<16xf32>,
      tpu.vector_store %arg14[%swap3A], %add3A_127 {strides = array<i32>} : memref<320xf32, #tpu.memory_space<vmem>>, vector<16xf32>,
    }
    %scan3A_36 = arith.constant 20 : i32
    "tpu.region"() ({
      %run_scoped3A = tpu.sem_alloc : memref<!tpu.dma_semaphore, #tpu.memory_space<semaphore_mem>>
      %dma_start3A = tpu.memref_slice %arg6[%min3A_3] : memref<9760xf32, #tpu.memory_space<hbm>> -> memref<320xf32, #tpu.memory_space<hbm>>
      %dma_start3A_37 = tpu.memref_slice %arg6[%min3A_3] : memref<9760xf32, #tpu.memory_space<hbm>> -> memref<320xf32, #tpu.memory_space<hbm>>
      tpu.enqueue_dma source(%arg14 : memref<320xf32, #tpu.memory_space<vmem>>) target(%dma_start3A_37 : memref<320xf32, #tpu.memory_space<hbm>>) target_semaphore(%run_scoped3A : memref<!tpu.dma_semaphore, #tpu.memory_space<semaphore_mem>>)
      %dma_wait3A = tpu.memref_slice %arg6[%min3A_3] : memref<9760xf32, #tpu.memory_space<hbm>> -> memref<320xf32, #tpu.memory_space<hbm>>
      %dma_wait3A_38 = tpu.memref_slice %arg6[%min3A_3] : memref<9760xf32, #tpu.memory_space<hbm>> -> memref<320xf32, #tpu.memory_space<hbm>>
      tpu.wait_dma2 semaphore(%run_scoped3A : memref<!tpu.dma_semaphore, #tpu.memory_space<semaphore_mem>>) src(%arg14 : memref<320xf32, #tpu.memory_space<vmem>>) dst(%dma_wait3A_38 : memref<320xf32, #tpu.memory_space<hbm>>)
      tpu.yield
    }) : () -> ()
    return
  }
}

#map = affine_map<(d0, d1) -> (0)>
module attributes {stable_mosaic.version = 14 : i64} {
  func.func @k(%arg0: i32, %arg1: i32, %arg2: memref<100000xf32, #tpu.memory_space<hbm>>, %arg3: memref<100000xf32, #tpu.memory_space<hbm>>, %arg4: memref<102400xi32, #tpu.memory_space<hbm>>, %arg5: memref<20480xf32, #tpu.memory_space<hbm>>, %arg6: memref<20480xf32, #tpu.memory_space<hbm>>, %arg7: memref<20480xf32, #tpu.memory_space<hbm>>, %arg8: memref<20480xf32, #tpu.memory_space<hbm>>, %arg9: memref<3200xi32, #tpu.memory_space<vmem>>, %arg10: memref<3200xf32, #tpu.memory_space<vmem>>, %arg11: memref<3200xf32, #tpu.memory_space<vmem>>, %arg12: memref<640xf32, #tpu.memory_space<vmem>>, %arg13: memref<640xf32, #tpu.memory_space<vmem>>, %arg14: memref<640xf32, #tpu.memory_space<vmem>>, %arg15: memref<640xf32, #tpu.memory_space<vmem>>, %arg16: memref<!tpu.dma_semaphore, #tpu.memory_space<semaphore_mem>>) attributes {dimension_semantics = [#tpu.dimension_semantics<core_parallel>, #tpu.dimension_semantics<subcore_parallel>], iteration_bounds = array<i64: 2, 16>, scalar_prefetch = 0 : i64, scratch_operands = 8 : i64, tpu.core_type = #tpu.core_type<sc_vector_subcore>, window_params = [{transform_indices = #map}, {transform_indices = #map}, {transform_indices = #map}, {transform_indices = #map}, {transform_indices = #map}, {transform_indices = #map}, {transform_indices = #map}]} {
    %mul3A = arith.constant 16 : i32
    %mul3A_0 = arith.muli %arg0, %mul3A : i32
    %add3A = arith.addi %mul3A_0, %arg1 : i32
    %mul3A_1 = arith.constant 3200 : i32
    %mul3A_2 = arith.muli %add3A, %mul3A_1 : i32
    %mul3A_3 = arith.constant 640 : i32
    %mul3A_4 = arith.muli %add3A, %mul3A_3 : i32
    "tpu.region"() ({
      %run_scoped3A = tpu.sem_alloc : memref<!tpu.dma_semaphore, #tpu.memory_space<semaphore_mem>>
      %dma_start3A = tpu.memref_slice %arg4[%mul3A_2] : memref<102400xi32, #tpu.memory_space<hbm>> -> memref<3200xi32, #tpu.memory_space<hbm>>
      %dma_start3A_25 = tpu.memref_slice %arg4[%mul3A_2] : memref<102400xi32, #tpu.memory_space<hbm>> -> memref<3200xi32, #tpu.memory_space<hbm>>
      tpu.enqueue_dma source(%dma_start3A_25 : memref<3200xi32, #tpu.memory_space<hbm>>) target(%arg9 : memref<3200xi32, #tpu.memory_space<vmem>>) target_semaphore(%run_scoped3A : memref<!tpu.dma_semaphore, #tpu.memory_space<semaphore_mem>>)
      %dma_wait3A = tpu.memref_slice %arg4[%mul3A_2] : memref<102400xi32, #tpu.memory_space<hbm>> -> memref<3200xi32, #tpu.memory_space<hbm>>
      %dma_wait3A_26 = tpu.memref_slice %arg4[%mul3A_2] : memref<102400xi32, #tpu.memory_space<hbm>> -> memref<3200xi32, #tpu.memory_space<hbm>>
      tpu.wait_dma2 semaphore(%run_scoped3A : memref<!tpu.dma_semaphore, #tpu.memory_space<semaphore_mem>>) src(%dma_wait3A_26 : memref<3200xi32, #tpu.memory_space<hbm>>) dst(%arg9 : memref<3200xi32, #tpu.memory_space<vmem>>)
      tpu.yield
    }) : () -> ()
    %scan3A = arith.constant 0 : i32
    %scan3A_5 = arith.constant 0 : i32
    %scan3A_6 = arith.constant 25 : i32
    %scan3A_7 = arith.addi %scan3A_5, %scan3A_6 : i32
    %scan3A_8 = arith.constant 1 : i32
    scf.for %scan3A_25 = %scan3A_5 to %scan3A_7 step %scan3A_8  : i32 {
      %mul3A_26 = arith.constant 128 : i32
      %mul3A_27 = arith.muli %scan3A_25, %mul3A_26 : i32
      %dma_start3A = tpu.memref_slice %arg10[%mul3A_27] : memref<3200xf32, #tpu.memory_space<vmem>> -> memref<128xf32, #tpu.memory_space<vmem>>
      %dma_start3A_28 = tpu.memref_slice %arg9[%mul3A_27] : memref<3200xi32, #tpu.memory_space<vmem>> -> memref<128xi32, #tpu.memory_space<vmem>>
      %dma_start3A_29 = arith.constant 0 : i32
      %dma_start3A_30 = tpu.memref_slice %arg2[%dma_start3A_29] : memref<100000xf32, #tpu.memory_space<hbm>> -> memref<100000xf32, #tpu.memory_space<hbm>>
      tpu.enqueue_indirect_dma source(%dma_start3A_30 : memref<100000xf32, #tpu.memory_space<hbm>>) target(%dma_start3A : memref<128xf32, #tpu.memory_space<vmem>>) offsets(%dma_start3A_28 : memref<128xi32, #tpu.memory_space<vmem>>) semaphore(%arg16 : memref<!tpu.dma_semaphore, #tpu.memory_space<semaphore_mem>>)
      %dma_start3A_31 = tpu.memref_slice %arg11[%mul3A_27] : memref<3200xf32, #tpu.memory_space<vmem>> -> memref<128xf32, #tpu.memory_space<vmem>>
      %dma_start3A_32 = tpu.memref_slice %arg9[%mul3A_27] : memref<3200xi32, #tpu.memory_space<vmem>> -> memref<128xi32, #tpu.memory_space<vmem>>
      %dma_start3A_33 = arith.constant 0 : i32
      %dma_start3A_34 = tpu.memref_slice %arg3[%dma_start3A_33] : memref<100000xf32, #tpu.memory_space<hbm>> -> memref<100000xf32, #tpu.memory_space<hbm>>
      tpu.enqueue_indirect_dma source(%dma_start3A_34 : memref<100000xf32, #tpu.memory_space<hbm>>) target(%dma_start3A_31 : memref<128xf32, #tpu.memory_space<vmem>>) offsets(%dma_start3A_32 : memref<128xi32, #tpu.memory_space<vmem>>) semaphore(%arg16 : memref<!tpu.dma_semaphore, #tpu.memory_space<semaphore_mem>>)
    }
    %scan3A_9 = arith.constant 25 : i32
    %scan3A_10 = arith.constant 0 : i32
    %scan3A_11 = arith.constant 0 : i32
    %scan3A_12 = arith.constant 25 : i32
    %scan3A_13 = arith.addi %scan3A_11, %scan3A_12 : i32
    %scan3A_14 = arith.constant 1 : i32
    scf.for %scan3A_25 = %scan3A_11 to %scan3A_13 step %scan3A_14  : i32 {
      %mul3A_26 = arith.constant 128 : i32
      %mul3A_27 = arith.muli %scan3A_25, %mul3A_26 : i32
      %dma_wait3A = tpu.memref_slice %arg10[%mul3A_27] : memref<3200xf32, #tpu.memory_space<vmem>> -> memref<128xf32, #tpu.memory_space<vmem>>
      %dma_wait3A_28 = tpu.memref_slice %arg9[%mul3A_27] : memref<3200xi32, #tpu.memory_space<vmem>> -> memref<128xi32, #tpu.memory_space<vmem>>
      %dma_wait3A_29 = arith.constant 0 : i32
      %dma_wait3A_30 = tpu.memref_slice %arg2[%dma_wait3A_29] : memref<100000xf32, #tpu.memory_space<hbm>> -> memref<100000xf32, #tpu.memory_space<hbm>>
      tpu.wait_indirect_dma semaphore(%arg16 : memref<!tpu.dma_semaphore, #tpu.memory_space<semaphore_mem>>) src(%dma_wait3A_30 : memref<100000xf32, #tpu.memory_space<hbm>>) dst(%dma_wait3A : memref<128xf32, #tpu.memory_space<vmem>>)
      %dma_wait3A_31 = tpu.memref_slice %arg11[%mul3A_27] : memref<3200xf32, #tpu.memory_space<vmem>> -> memref<128xf32, #tpu.memory_space<vmem>>
      %dma_wait3A_32 = tpu.memref_slice %arg9[%mul3A_27] : memref<3200xi32, #tpu.memory_space<vmem>> -> memref<128xi32, #tpu.memory_space<vmem>>
      %dma_wait3A_33 = arith.constant 0 : i32
      %dma_wait3A_34 = tpu.memref_slice %arg3[%dma_wait3A_33] : memref<100000xf32, #tpu.memory_space<hbm>> -> memref<100000xf32, #tpu.memory_space<hbm>>
      tpu.wait_indirect_dma semaphore(%arg16 : memref<!tpu.dma_semaphore, #tpu.memory_space<semaphore_mem>>) src(%dma_wait3A_34 : memref<100000xf32, #tpu.memory_space<hbm>>) dst(%dma_wait3A_31 : memref<128xf32, #tpu.memory_space<vmem>>)
    }
    %scan3A_15 = arith.constant 25 : i32
    %iota3A = tpu.iota {dimensions = array<i32: 0>} : vector<16xi32>
    %mul3A_16 = arith.constant 5 : i32
    %mul3A_17 = vector.broadcast %mul3A_16 : i32 to vector<16xi32>
    %mul3A_18 = arith.muli %iota3A, %mul3A_17 : vector<16xi32>
    %scan3A_19 = arith.constant 0 : i32
    %scan3A_20 = arith.constant 0 : i32
    %scan3A_21 = arith.constant 40 : i32
    %scan3A_22 = arith.addi %scan3A_20, %scan3A_21 : i32
    %scan3A_23 = arith.constant 1 : i32
    scf.for %scan3A_25 = %scan3A_20 to %scan3A_22 step %scan3A_23  : i32 {
      %mul3A_26 = arith.constant 80 : i32
      %mul3A_27 = arith.muli %scan3A_25, %mul3A_26 : i32
      %add3A_28 = vector.broadcast %mul3A_27 : i32 to vector<16xi32>
      %add3A_29 = arith.addi %add3A_28, %mul3A_18 : vector<16xi32>
      %add3A_30 = arith.constant 0 : i32
      %add3A_31 = vector.broadcast %add3A_30 : i32 to vector<16xi32>
      %add3A_32 = arith.addi %add3A_29, %add3A_31 : vector<16xi32>
      %gather3A = tpu.vector_load_idx %arg10[%add3A_32] : memref<3200xf32, #tpu.memory_space<vmem>>[vector<16xi32>], vector<16xf32>,
      %add3A_33 = arith.constant 1 : i32
      %add3A_34 = vector.broadcast %add3A_33 : i32 to vector<16xi32>
      %add3A_35 = arith.addi %add3A_29, %add3A_34 : vector<16xi32>
      %gather3A_36 = tpu.vector_load_idx %arg10[%add3A_35] : memref<3200xf32, #tpu.memory_space<vmem>>[vector<16xi32>], vector<16xf32>,
      %add3A_37 = arith.constant 2 : i32
      %add3A_38 = vector.broadcast %add3A_37 : i32 to vector<16xi32>
      %add3A_39 = arith.addi %add3A_29, %add3A_38 : vector<16xi32>
      %gather3A_40 = tpu.vector_load_idx %arg10[%add3A_39] : memref<3200xf32, #tpu.memory_space<vmem>>[vector<16xi32>], vector<16xf32>,
      %add3A_41 = arith.constant 3 : i32
      %add3A_42 = vector.broadcast %add3A_41 : i32 to vector<16xi32>
      %add3A_43 = arith.addi %add3A_29, %add3A_42 : vector<16xi32>
      %gather3A_44 = tpu.vector_load_idx %arg10[%add3A_43] : memref<3200xf32, #tpu.memory_space<vmem>>[vector<16xi32>], vector<16xf32>,
      %add3A_45 = arith.constant 4 : i32
      %add3A_46 = vector.broadcast %add3A_45 : i32 to vector<16xi32>
      %add3A_47 = arith.addi %add3A_29, %add3A_46 : vector<16xi32>
      %gather3A_48 = tpu.vector_load_idx %arg10[%add3A_47] : memref<3200xf32, #tpu.memory_space<vmem>>[vector<16xi32>], vector<16xf32>,
      %add3A_49 = arith.constant 0 : i32
      %add3A_50 = vector.broadcast %add3A_49 : i32 to vector<16xi32>
      %add3A_51 = arith.addi %add3A_29, %add3A_50 : vector<16xi32>
      %gather3A_52 = tpu.vector_load_idx %arg11[%add3A_51] : memref<3200xf32, #tpu.memory_space<vmem>>[vector<16xi32>], vector<16xf32>,
      %add3A_53 = arith.constant 1 : i32
      %add3A_54 = vector.broadcast %add3A_53 : i32 to vector<16xi32>
      %add3A_55 = arith.addi %add3A_29, %add3A_54 : vector<16xi32>
      %gather3A_56 = tpu.vector_load_idx %arg11[%add3A_55] : memref<3200xf32, #tpu.memory_space<vmem>>[vector<16xi32>], vector<16xf32>,
      %add3A_57 = arith.constant 2 : i32
      %add3A_58 = vector.broadcast %add3A_57 : i32 to vector<16xi32>
      %add3A_59 = arith.addi %add3A_29, %add3A_58 : vector<16xi32>
      %gather3A_60 = tpu.vector_load_idx %arg11[%add3A_59] : memref<3200xf32, #tpu.memory_space<vmem>>[vector<16xi32>], vector<16xf32>,
      %add3A_61 = arith.constant 3 : i32
      %add3A_62 = vector.broadcast %add3A_61 : i32 to vector<16xi32>
      %add3A_63 = arith.addi %add3A_29, %add3A_62 : vector<16xi32>
      %gather3A_64 = tpu.vector_load_idx %arg11[%add3A_63] : memref<3200xf32, #tpu.memory_space<vmem>>[vector<16xi32>], vector<16xf32>,
      %add3A_65 = arith.constant 4 : i32
      %add3A_66 = vector.broadcast %add3A_65 : i32 to vector<16xi32>
      %add3A_67 = arith.addi %add3A_29, %add3A_66 : vector<16xi32>
      %gather3A_68 = tpu.vector_load_idx %arg11[%add3A_67] : memref<3200xf32, #tpu.memory_space<vmem>>[vector<16xi32>], vector<16xf32>,
      %min3A = arith.minimumf %gather3A, %gather3A_36 : vector<16xf32>
      %max3A = arith.maximumf %gather3A, %gather3A_36 : vector<16xf32>
      %min3A_69 = arith.minimumf %gather3A_52, %gather3A_56 : vector<16xf32>
      %max3A_70 = arith.maximumf %gather3A_52, %gather3A_56 : vector<16xf32>
      %min3A_71 = arith.minimumf %min3A, %gather3A_40 : vector<16xf32>
      %max3A_72 = arith.maximumf %max3A, %gather3A_40 : vector<16xf32>
      %min3A_73 = arith.minimumf %min3A_69, %gather3A_60 : vector<16xf32>
      %max3A_74 = arith.maximumf %max3A_70, %gather3A_60 : vector<16xf32>
      %min3A_75 = arith.minimumf %min3A_71, %gather3A_44 : vector<16xf32>
      %max3A_76 = arith.maximumf %max3A_72, %gather3A_44 : vector<16xf32>
      %min3A_77 = arith.minimumf %min3A_73, %gather3A_64 : vector<16xf32>
      %max3A_78 = arith.maximumf %max3A_74, %gather3A_64 : vector<16xf32>
      %min3A_79 = arith.minimumf %min3A_75, %gather3A_48 : vector<16xf32>
      %max3A_80 = arith.maximumf %max3A_76, %gather3A_48 : vector<16xf32>
      %min3A_81 = arith.minimumf %min3A_77, %gather3A_68 : vector<16xf32>
      %max3A_82 = arith.maximumf %max3A_78, %gather3A_68 : vector<16xf32>
      %mul3A_83 = arith.constant 16 : i32
      %mul3A_84 = arith.muli %scan3A_25, %mul3A_83 : i32
      %swap3A = arith.index_cast %mul3A_84 : i32 to index
      %swap3A_85 = tpu.vector_load %arg12[%swap3A] {strides = array<i32>} : memref<640xf32, #tpu.memory_space<vmem>>, vector<16xf32>,
      tpu.vector_store %arg12[%swap3A], %min3A_79 {strides = array<i32>} : memref<640xf32, #tpu.memory_space<vmem>>, vector<16xf32>,
      %mul3A_86 = arith.constant 16 : i32
      %mul3A_87 = arith.muli %scan3A_25, %mul3A_86 : i32
      %swap3A_88 = arith.index_cast %mul3A_87 : i32 to index
      %swap3A_89 = tpu.vector_load %arg13[%swap3A_88] {strides = array<i32>} : memref<640xf32, #tpu.memory_space<vmem>>, vector<16xf32>,
      tpu.vector_store %arg13[%swap3A_88], %max3A_80 {strides = array<i32>} : memref<640xf32, #tpu.memory_space<vmem>>, vector<16xf32>,
      %mul3A_90 = arith.constant 16 : i32
      %mul3A_91 = arith.muli %scan3A_25, %mul3A_90 : i32
      %swap3A_92 = arith.index_cast %mul3A_91 : i32 to index
      %swap3A_93 = tpu.vector_load %arg14[%swap3A_92] {strides = array<i32>} : memref<640xf32, #tpu.memory_space<vmem>>, vector<16xf32>,
      tpu.vector_store %arg14[%swap3A_92], %min3A_81 {strides = array<i32>} : memref<640xf32, #tpu.memory_space<vmem>>, vector<16xf32>,
      %mul3A_94 = arith.constant 16 : i32
      %mul3A_95 = arith.muli %scan3A_25, %mul3A_94 : i32
      %swap3A_96 = arith.index_cast %mul3A_95 : i32 to index
      %swap3A_97 = tpu.vector_load %arg15[%swap3A_96] {strides = array<i32>} : memref<640xf32, #tpu.memory_space<vmem>>, vector<16xf32>,
      tpu.vector_store %arg15[%swap3A_96], %max3A_82 {strides = array<i32>} : memref<640xf32, #tpu.memory_space<vmem>>, vector<16xf32>,
    }
    %scan3A_24 = arith.constant 40 : i32
    "tpu.region"() ({
      %run_scoped3A = tpu.sem_alloc : memref<!tpu.dma_semaphore, #tpu.memory_space<semaphore_mem>>
      %dma_start3A = tpu.memref_slice %arg5[%mul3A_4] : memref<20480xf32, #tpu.memory_space<hbm>> -> memref<640xf32, #tpu.memory_space<hbm>>
      %dma_start3A_25 = tpu.memref_slice %arg5[%mul3A_4] : memref<20480xf32, #tpu.memory_space<hbm>> -> memref<640xf32, #tpu.memory_space<hbm>>
      tpu.enqueue_dma source(%arg12 : memref<640xf32, #tpu.memory_space<vmem>>) target(%dma_start3A_25 : memref<640xf32, #tpu.memory_space<hbm>>) target_semaphore(%run_scoped3A : memref<!tpu.dma_semaphore, #tpu.memory_space<semaphore_mem>>)
      %dma_wait3A = tpu.memref_slice %arg5[%mul3A_4] : memref<20480xf32, #tpu.memory_space<hbm>> -> memref<640xf32, #tpu.memory_space<hbm>>
      %dma_wait3A_26 = tpu.memref_slice %arg5[%mul3A_4] : memref<20480xf32, #tpu.memory_space<hbm>> -> memref<640xf32, #tpu.memory_space<hbm>>
      tpu.wait_dma2 semaphore(%run_scoped3A : memref<!tpu.dma_semaphore, #tpu.memory_space<semaphore_mem>>) src(%arg12 : memref<640xf32, #tpu.memory_space<vmem>>) dst(%dma_wait3A_26 : memref<640xf32, #tpu.memory_space<hbm>>)
      tpu.yield
    }) : () -> ()
    "tpu.region"() ({
      %run_scoped3A = tpu.sem_alloc : memref<!tpu.dma_semaphore, #tpu.memory_space<semaphore_mem>>
      %dma_start3A = tpu.memref_slice %arg6[%mul3A_4] : memref<20480xf32, #tpu.memory_space<hbm>> -> memref<640xf32, #tpu.memory_space<hbm>>
      %dma_start3A_25 = tpu.memref_slice %arg6[%mul3A_4] : memref<20480xf32, #tpu.memory_space<hbm>> -> memref<640xf32, #tpu.memory_space<hbm>>
      tpu.enqueue_dma source(%arg13 : memref<640xf32, #tpu.memory_space<vmem>>) target(%dma_start3A_25 : memref<640xf32, #tpu.memory_space<hbm>>) target_semaphore(%run_scoped3A : memref<!tpu.dma_semaphore, #tpu.memory_space<semaphore_mem>>)
      %dma_wait3A = tpu.memref_slice %arg6[%mul3A_4] : memref<20480xf32, #tpu.memory_space<hbm>> -> memref<640xf32, #tpu.memory_space<hbm>>
      %dma_wait3A_26 = tpu.memref_slice %arg6[%mul3A_4] : memref<20480xf32, #tpu.memory_space<hbm>> -> memref<640xf32, #tpu.memory_space<hbm>>
      tpu.wait_dma2 semaphore(%run_scoped3A : memref<!tpu.dma_semaphore, #tpu.memory_space<semaphore_mem>>) src(%arg13 : memref<640xf32, #tpu.memory_space<vmem>>) dst(%dma_wait3A_26 : memref<640xf32, #tpu.memory_space<hbm>>)
      tpu.yield
    }) : () -> ()
    "tpu.region"() ({
      %run_scoped3A = tpu.sem_alloc : memref<!tpu.dma_semaphore, #tpu.memory_space<semaphore_mem>>
      %dma_start3A = tpu.memref_slice %arg7[%mul3A_4] : memref<20480xf32, #tpu.memory_space<hbm>> -> memref<640xf32, #tpu.memory_space<hbm>>
      %dma_start3A_25 = tpu.memref_slice %arg7[%mul3A_4] : memref<20480xf32, #tpu.memory_space<hbm>> -> memref<640xf32, #tpu.memory_space<hbm>>
      tpu.enqueue_dma source(%arg14 : memref<640xf32, #tpu.memory_space<vmem>>) target(%dma_start3A_25 : memref<640xf32, #tpu.memory_space<hbm>>) target_semaphore(%run_scoped3A : memref<!tpu.dma_semaphore, #tpu.memory_space<semaphore_mem>>)
      %dma_wait3A = tpu.memref_slice %arg7[%mul3A_4] : memref<20480xf32, #tpu.memory_space<hbm>> -> memref<640xf32, #tpu.memory_space<hbm>>
      %dma_wait3A_26 = tpu.memref_slice %arg7[%mul3A_4] : memref<20480xf32, #tpu.memory_space<hbm>> -> memref<640xf32, #tpu.memory_space<hbm>>
      tpu.wait_dma2 semaphore(%run_scoped3A : memref<!tpu.dma_semaphore, #tpu.memory_space<semaphore_mem>>) src(%arg14 : memref<640xf32, #tpu.memory_space<vmem>>) dst(%dma_wait3A_26 : memref<640xf32, #tpu.memory_space<hbm>>)
      tpu.yield
    }) : () -> ()
    "tpu.region"() ({
      %run_scoped3A = tpu.sem_alloc : memref<!tpu.dma_semaphore, #tpu.memory_space<semaphore_mem>>
      %dma_start3A = tpu.memref_slice %arg8[%mul3A_4] : memref<20480xf32, #tpu.memory_space<hbm>> -> memref<640xf32, #tpu.memory_space<hbm>>
      %dma_start3A_25 = tpu.memref_slice %arg8[%mul3A_4] : memref<20480xf32, #tpu.memory_space<hbm>> -> memref<640xf32, #tpu.memory_space<hbm>>
      tpu.enqueue_dma source(%arg15 : memref<640xf32, #tpu.memory_space<vmem>>) target(%dma_start3A_25 : memref<640xf32, #tpu.memory_space<hbm>>) target_semaphore(%run_scoped3A : memref<!tpu.dma_semaphore, #tpu.memory_space<semaphore_mem>>)
      %dma_wait3A = tpu.memref_slice %arg8[%mul3A_4] : memref<20480xf32, #tpu.memory_space<hbm>> -> memref<640xf32, #tpu.memory_space<hbm>>
      %dma_wait3A_26 = tpu.memref_slice %arg8[%mul3A_4] : memref<20480xf32, #tpu.memory_space<hbm>> -> memref<640xf32, #tpu.memory_space<hbm>>
      tpu.wait_dma2 semaphore(%run_scoped3A : memref<!tpu.dma_semaphore, #tpu.memory_space<semaphore_mem>>) src(%arg15 : memref<640xf32, #tpu.memory_space<vmem>>) dst(%dma_wait3A_26 : memref<640xf32, #tpu.memory_space<hbm>>)
      tpu.yield
    }) : () -> ()
    return
  }
}

module attributes {stable_mosaic.version = 14 : i64} {
  func.func @_demand_body(%arg0: i32, %arg1: memref<2048xf32, #tpu.memory_space<vmem>>, %arg2: memref<2048xf32, #tpu.memory_space<vmem>>, %arg3: memref<2048xf32, #tpu.memory_space<vmem>>, %arg4: memref<2048xf32, #tpu.memory_space<vmem>>, %arg5: memref<2048xi32, #tpu.memory_space<vmem>>, %arg6: memref<2048xf32, #tpu.memory_space<vmem>>, %arg7: memref<256x256xf32, #tpu.memory_space<vmem>>, %arg8: memref<65536xf32, #tpu.memory_space<vmem>>, %arg9: memref<512x256xf32, #tpu.memory_space<vmem>>) attributes {dimension_semantics = [#tpu.dimension_semantics<arbitrary>], iteration_bounds = array<i64: 10>, scalar_prefetch = 0 : i64, scratch_operands = 1 : i64, tpu.core_type = #tpu.core_type<tc>, window_params = [{transform_indices = @transform_0, window_bounds = array<i64: 2048>}, {transform_indices = @transform_1, window_bounds = array<i64: 2048>}, {transform_indices = @transform_2, window_bounds = array<i64: 2048>}, {transform_indices = @transform_3, window_bounds = array<i64: 2048>}, {transform_indices = @transform_4, window_bounds = array<i64: 2048>}, {transform_indices = @transform_5, window_bounds = array<i64: 2048>}, {pipeline_mode = #tpu.pipeline_mode<synchronous>, transform_indices = @transform_6, window_bounds = array<i64: 256, 256>}, {pipeline_mode = #tpu.pipeline_mode<synchronous>, transform_indices = @transform_7, window_bounds = array<i64: 65536>}]} {
    %get3A = arith.constant 0 : index
    %get3A_0 = vector.load %arg1[%get3A] : memref<2048xf32, #tpu.memory_space<vmem>>, vector<2048xf32>
    %reshape3A = vector.shape_cast %get3A_0 : vector<2048xf32> to vector<1x2048xf32>
    %get3A_1 = arith.constant 0 : index
    %get3A_2 = vector.load %arg2[%get3A_1] : memref<2048xf32, #tpu.memory_space<vmem>>, vector<2048xf32>
    %reshape3A_3 = vector.shape_cast %get3A_2 : vector<2048xf32> to vector<1x2048xf32>
    %get3A_4 = arith.constant 0 : index
    %get3A_5 = vector.load %arg3[%get3A_4] : memref<2048xf32, #tpu.memory_space<vmem>>, vector<2048xf32>
    %reshape3A_6 = vector.shape_cast %get3A_5 : vector<2048xf32> to vector<1x2048xf32>
    %get3A_7 = arith.constant 0 : index
    %get3A_8 = vector.load %arg4[%get3A_7] : memref<2048xf32, #tpu.memory_space<vmem>>, vector<2048xf32>
    %reshape3A_9 = vector.shape_cast %get3A_8 : vector<2048xf32> to vector<1x2048xf32>
    %get3A_10 = arith.constant 0 : index
    %get3A_11 = vector.load %arg5[%get3A_10] : memref<2048xi32, #tpu.memory_space<vmem>>, vector<2048xi32>
    %reshape3A_12 = vector.shape_cast %get3A_11 : vector<2048xi32> to vector<1x2048xi32>
    %broadcast_in_dim3A = arith.constant 0 : i32
    %broadcast_in_dim3A_13 = vector.broadcast %broadcast_in_dim3A : i32 to vector<1x2048xi32>
    %gt3A = arith.constant 1 : i32
    %gt3A_14 = vector.broadcast %gt3A : i32 to vector<1x2048xi32>
    %gt3A_15 = arith.cmpi sgt, %reshape3A_12, %gt3A_14 : vector<1x2048xi32>
    %convert_element_type3A = arith.extui %gt3A_15 : vector<1x2048xi1> to vector<1x2048xi32>
    %add3A = arith.addi %broadcast_in_dim3A_13, %convert_element_type3A : vector<1x2048xi32>
    %gt3A_16 = arith.constant 2 : i32
    %gt3A_17 = vector.broadcast %gt3A_16 : i32 to vector<1x2048xi32>
    %gt3A_18 = arith.cmpi sgt, %reshape3A_12, %gt3A_17 : vector<1x2048xi32>
    %convert_element_type3A_19 = arith.extui %gt3A_18 : vector<1x2048xi1> to vector<1x2048xi32>
    %add3A_20 = arith.addi %add3A, %convert_element_type3A_19 : vector<1x2048xi32>
    %gt3A_21 = arith.constant 3 : i32
    %gt3A_22 = vector.broadcast %gt3A_21 : i32 to vector<1x2048xi32>
    %gt3A_23 = arith.cmpi sgt, %reshape3A_12, %gt3A_22 : vector<1x2048xi32>
    %convert_element_type3A_24 = arith.extui %gt3A_23 : vector<1x2048xi1> to vector<1x2048xi32>
    %add3A_25 = arith.addi %add3A_20, %convert_element_type3A_24 : vector<1x2048xi32>
    %gt3A_26 = arith.constant 4 : i32
    %gt3A_27 = vector.broadcast %gt3A_26 : i32 to vector<1x2048xi32>
    %gt3A_28 = arith.cmpi sgt, %reshape3A_12, %gt3A_27 : vector<1x2048xi32>
    %convert_element_type3A_29 = arith.extui %gt3A_28 : vector<1x2048xi1> to vector<1x2048xi32>
    %add3A_30 = arith.addi %add3A_25, %convert_element_type3A_29 : vector<1x2048xi32>
    %gt3A_31 = arith.constant 5 : i32
    %gt3A_32 = vector.broadcast %gt3A_31 : i32 to vector<1x2048xi32>
    %gt3A_33 = arith.cmpi sgt, %reshape3A_12, %gt3A_32 : vector<1x2048xi32>
    %convert_element_type3A_34 = arith.extui %gt3A_33 : vector<1x2048xi1> to vector<1x2048xi32>
    %add3A_35 = arith.addi %add3A_30, %convert_element_type3A_34 : vector<1x2048xi32>
    %gt3A_36 = arith.constant 6 : i32
    %gt3A_37 = vector.broadcast %gt3A_36 : i32 to vector<1x2048xi32>
    %gt3A_38 = arith.cmpi sgt, %reshape3A_12, %gt3A_37 : vector<1x2048xi32>
    %convert_element_type3A_39 = arith.extui %gt3A_38 : vector<1x2048xi1> to vector<1x2048xi32>
    %add3A_40 = arith.addi %add3A_35, %convert_element_type3A_39 : vector<1x2048xi32>
    %gt3A_41 = arith.constant 7 : i32
    %gt3A_42 = vector.broadcast %gt3A_41 : i32 to vector<1x2048xi32>
    %gt3A_43 = arith.cmpi sgt, %reshape3A_12, %gt3A_42 : vector<1x2048xi32>
    %convert_element_type3A_44 = arith.extui %gt3A_43 : vector<1x2048xi1> to vector<1x2048xi32>
    %add3A_45 = arith.addi %add3A_40, %convert_element_type3A_44 : vector<1x2048xi32>
    %gt3A_46 = arith.constant 8 : i32
    %gt3A_47 = vector.broadcast %gt3A_46 : i32 to vector<1x2048xi32>
    %gt3A_48 = arith.cmpi sgt, %reshape3A_12, %gt3A_47 : vector<1x2048xi32>
    %convert_element_type3A_49 = arith.extui %gt3A_48 : vector<1x2048xi1> to vector<1x2048xi32>
    %add3A_50 = arith.addi %add3A_45, %convert_element_type3A_49 : vector<1x2048xi32>
    %gt3A_51 = arith.constant 9 : i32
    %gt3A_52 = vector.broadcast %gt3A_51 : i32 to vector<1x2048xi32>
    %gt3A_53 = arith.cmpi sgt, %reshape3A_12, %gt3A_52 : vector<1x2048xi32>
    %convert_element_type3A_54 = arith.extui %gt3A_53 : vector<1x2048xi1> to vector<1x2048xi32>
    %add3A_55 = arith.addi %add3A_50, %convert_element_type3A_54 : vector<1x2048xi32>
    %gt3A_56 = arith.constant 10 : i32
    %gt3A_57 = vector.broadcast %gt3A_56 : i32 to vector<1x2048xi32>
    %gt3A_58 = arith.cmpi sgt, %reshape3A_12, %gt3A_57 : vector<1x2048xi32>
    %convert_element_type3A_59 = arith.extui %gt3A_58 : vector<1x2048xi1> to vector<1x2048xi32>
    %add3A_60 = arith.addi %add3A_55, %convert_element_type3A_59 : vector<1x2048xi32>
    %gt3A_61 = arith.constant 15 : i32
    %gt3A_62 = vector.broadcast %gt3A_61 : i32 to vector<1x2048xi32>
    %gt3A_63 = arith.cmpi sgt, %reshape3A_12, %gt3A_62 : vector<1x2048xi32>
    %convert_element_type3A_64 = arith.extui %gt3A_63 : vector<1x2048xi1> to vector<1x2048xi32>
    %add3A_65 = arith.addi %add3A_60, %convert_element_type3A_64 : vector<1x2048xi32>
    %gt3A_66 = arith.constant 20 : i32
    %gt3A_67 = vector.broadcast %gt3A_66 : i32 to vector<1x2048xi32>
    %gt3A_68 = arith.cmpi sgt, %reshape3A_12, %gt3A_67 : vector<1x2048xi32>
    %convert_element_type3A_69 = arith.extui %gt3A_68 : vector<1x2048xi1> to vector<1x2048xi32>
    %add3A_70 = arith.addi %add3A_65, %convert_element_type3A_69 : vector<1x2048xi32>
    %gt3A_71 = arith.constant 25 : i32
    %gt3A_72 = vector.broadcast %gt3A_71 : i32 to vector<1x2048xi32>
    %gt3A_73 = arith.cmpi sgt, %reshape3A_12, %gt3A_72 : vector<1x2048xi32>
    %convert_element_type3A_74 = arith.extui %gt3A_73 : vector<1x2048xi1> to vector<1x2048xi32>
    %add3A_75 = arith.addi %add3A_70, %convert_element_type3A_74 : vector<1x2048xi32>
    %gt3A_76 = arith.constant 30 : i32
    %gt3A_77 = vector.broadcast %gt3A_76 : i32 to vector<1x2048xi32>
    %gt3A_78 = arith.cmpi sgt, %reshape3A_12, %gt3A_77 : vector<1x2048xi32>
    %convert_element_type3A_79 = arith.extui %gt3A_78 : vector<1x2048xi1> to vector<1x2048xi32>
    %add3A_80 = arith.addi %add3A_75, %convert_element_type3A_79 : vector<1x2048xi32>
    %gt3A_81 = arith.constant 35 : i32
    %gt3A_82 = vector.broadcast %gt3A_81 : i32 to vector<1x2048xi32>
    %gt3A_83 = arith.cmpi sgt, %reshape3A_12, %gt3A_82 : vector<1x2048xi32>
    %convert_element_type3A_84 = arith.extui %gt3A_83 : vector<1x2048xi1> to vector<1x2048xi32>
    %add3A_85 = arith.addi %add3A_80, %convert_element_type3A_84 : vector<1x2048xi32>
    %gt3A_86 = arith.constant 40 : i32
    %gt3A_87 = vector.broadcast %gt3A_86 : i32 to vector<1x2048xi32>
    %gt3A_88 = arith.cmpi sgt, %reshape3A_12, %gt3A_87 : vector<1x2048xi32>
    %convert_element_type3A_89 = arith.extui %gt3A_88 : vector<1x2048xi1> to vector<1x2048xi32>
    %add3A_90 = arith.addi %add3A_85, %convert_element_type3A_89 : vector<1x2048xi32>
    %gt3A_91 = arith.constant 45 : i32
    %gt3A_92 = vector.broadcast %gt3A_91 : i32 to vector<1x2048xi32>
    %gt3A_93 = arith.cmpi sgt, %reshape3A_12, %gt3A_92 : vector<1x2048xi32>
    %convert_element_type3A_94 = arith.extui %gt3A_93 : vector<1x2048xi1> to vector<1x2048xi32>
    %add3A_95 = arith.addi %add3A_90, %convert_element_type3A_94 : vector<1x2048xi32>
    %min3A = arith.constant 17 : i32
    %min3A_96 = vector.broadcast %min3A : i32 to vector<1x2048xi32>
    %min3A_97 = arith.minsi %add3A_95, %min3A_96 : vector<1x2048xi32>
    %broadcast_in_dim3A_98 = arith.constant 0.000000e+00 : f32
    %broadcast_in_dim3A_99 = vector.broadcast %broadcast_in_dim3A_98 : f32 to vector<1x2048xf32>
    %eq3A = arith.constant 0 : i32
    %eq3A_100 = vector.broadcast %eq3A : i32 to vector<1x2048xi32>
    %eq3A_101 = arith.cmpi eq, %min3A_97, %eq3A_100 : vector<1x2048xi32>
    %jit3A = arith.constant 1.000000e+00 : f32
    %broadcast_in_dim3A_102 = vector.broadcast %jit3A : f32 to vector<1x2048xf32>
    %select_n3A = arith.select %eq3A_101, %broadcast_in_dim3A_102, %broadcast_in_dim3A_99 : vector<1x2048xi1>, vector<1x2048xf32>
    %eq3A_103 = arith.constant 1 : i32
    %eq3A_104 = vector.broadcast %eq3A_103 : i32 to vector<1x2048xi32>
    %eq3A_105 = arith.cmpi eq, %min3A_97, %eq3A_104 : vector<1x2048xi32>
    %jit3A_106 = arith.constant 1.000000e+00 : f32
    %broadcast_in_dim3A_107 = vector.broadcast %jit3A_106 : f32 to vector<1x2048xf32>
    %select_n3A_108 = arith.select %eq3A_105, %broadcast_in_dim3A_107, %select_n3A : vector<1x2048xi1>, vector<1x2048xf32>
    %eq3A_109 = arith.constant 2 : i32
    %eq3A_110 = vector.broadcast %eq3A_109 : i32 to vector<1x2048xi32>
    %eq3A_111 = arith.cmpi eq, %min3A_97, %eq3A_110 : vector<1x2048xi32>
    %jit3A_112 = arith.constant 1.000000e+00 : f32
    %broadcast_in_dim3A_113 = vector.broadcast %jit3A_112 : f32 to vector<1x2048xf32>
    %select_n3A_114 = arith.select %eq3A_111, %broadcast_in_dim3A_113, %select_n3A_108 : vector<1x2048xi1>, vector<1x2048xf32>
    %eq3A_115 = arith.constant 3 : i32
    %eq3A_116 = vector.broadcast %eq3A_115 : i32 to vector<1x2048xi32>
    %eq3A_117 = arith.cmpi eq, %min3A_97, %eq3A_116 : vector<1x2048xi32>
    %jit3A_118 = arith.constant 1.082800e+00 : f32
    %broadcast_in_dim3A_119 = vector.broadcast %jit3A_118 : f32 to vector<1x2048xf32>
    %select_n3A_120 = arith.select %eq3A_117, %broadcast_in_dim3A_119, %select_n3A_114 : vector<1x2048xi1>, vector<1x2048xf32>
    %eq3A_121 = arith.constant 4 : i32
    %eq3A_122 = vector.broadcast %eq3A_121 : i32 to vector<1x2048xi32>
    %eq3A_123 = arith.cmpi eq, %min3A_97, %eq3A_122 : vector<1x2048xi32>
    %jit3A_124 = arith.constant 1.153600e+00 : f32
    %broadcast_in_dim3A_125 = vector.broadcast %jit3A_124 : f32 to vector<1x2048xf32>
    %select_n3A_126 = arith.select %eq3A_123, %broadcast_in_dim3A_125, %select_n3A_120 : vector<1x2048xi1>, vector<1x2048xf32>
    %eq3A_127 = arith.constant 5 : i32
    %eq3A_128 = vector.broadcast %eq3A_127 : i32 to vector<1x2048xi32>
    %eq3A_129 = arith.cmpi eq, %min3A_97, %eq3A_128 : vector<1x2048xi32>
    %jit3A_130 = arith.constant 1.220600e+00 : f32
    %broadcast_in_dim3A_131 = vector.broadcast %jit3A_130 : f32 to vector<1x2048xf32>
    %select_n3A_132 = arith.select %eq3A_129, %broadcast_in_dim3A_131, %select_n3A_126 : vector<1x2048xi1>, vector<1x2048xf32>
    %eq3A_133 = arith.constant 6 : i32
    %eq3A_134 = vector.broadcast %eq3A_133 : i32 to vector<1x2048xi32>
    %eq3A_135 = arith.cmpi eq, %min3A_97, %eq3A_134 : vector<1x2048xi32>
    %jit3A_136 = arith.constant 1.282300e+00 : f32
    %broadcast_in_dim3A_137 = vector.broadcast %jit3A_136 : f32 to vector<1x2048xf32>
    %select_n3A_138 = arith.select %eq3A_135, %broadcast_in_dim3A_137, %select_n3A_132 : vector<1x2048xi1>, vector<1x2048xf32>
    %eq3A_139 = arith.constant 7 : i32
    %eq3A_140 = vector.broadcast %eq3A_139 : i32 to vector<1x2048xi32>
    %eq3A_141 = arith.cmpi eq, %min3A_97, %eq3A_140 : vector<1x2048xi32>
    %jit3A_142 = arith.constant 1.338500e+00 : f32
    %broadcast_in_dim3A_143 = vector.broadcast %jit3A_142 : f32 to vector<1x2048xf32>
    %select_n3A_144 = arith.select %eq3A_141, %broadcast_in_dim3A_143, %select_n3A_138 : vector<1x2048xi1>, vector<1x2048xf32>
    %eq3A_145 = arith.constant 8 : i32
    %eq3A_146 = vector.broadcast %eq3A_145 : i32 to vector<1x2048xi32>
    %eq3A_147 = arith.cmpi eq, %min3A_97, %eq3A_146 : vector<1x2048xi32>
    %jit3A_148 = arith.constant 1.399100e+00 : f32
    %broadcast_in_dim3A_149 = vector.broadcast %jit3A_148 : f32 to vector<1x2048xf32>
    %select_n3A_150 = arith.select %eq3A_147, %broadcast_in_dim3A_149, %select_n3A_144 : vector<1x2048xi1>, vector<1x2048xf32>
    %eq3A_151 = arith.constant 9 : i32
    %eq3A_152 = vector.broadcast %eq3A_151 : i32 to vector<1x2048xi32>
    %eq3A_153 = arith.cmpi eq, %min3A_97, %eq3A_152 : vector<1x2048xi32>
    %jit3A_154 = arith.constant 1.449300e+00 : f32
    %broadcast_in_dim3A_155 = vector.broadcast %jit3A_154 : f32 to vector<1x2048xf32>
    %select_n3A_156 = arith.select %eq3A_153, %broadcast_in_dim3A_155, %select_n3A_150 : vector<1x2048xi1>, vector<1x2048xf32>
    %eq3A_157 = arith.constant 10 : i32
    %eq3A_158 = vector.broadcast %eq3A_157 : i32 to vector<1x2048xi32>
    %eq3A_159 = arith.cmpi eq, %min3A_97, %eq3A_158 : vector<1x2048xi32>
    %jit3A_160 = arith.constant 1.689900e+00 : f32
    %broadcast_in_dim3A_161 = vector.broadcast %jit3A_160 : f32 to vector<1x2048xf32>
    %select_n3A_162 = arith.select %eq3A_159, %broadcast_in_dim3A_161, %select_n3A_156 : vector<1x2048xi1>, vector<1x2048xf32>
    %eq3A_163 = arith.constant 11 : i32
    %eq3A_164 = vector.broadcast %eq3A_163 : i32 to vector<1x2048xi32>
    %eq3A_165 = arith.cmpi eq, %min3A_97, %eq3A_164 : vector<1x2048xi32>
    %jit3A_166 = arith.constant 1.892400e+00 : f32
    %broadcast_in_dim3A_167 = vector.broadcast %jit3A_166 : f32 to vector<1x2048xf32>
    %select_n3A_168 = arith.select %eq3A_165, %broadcast_in_dim3A_167, %select_n3A_162 : vector<1x2048xi1>, vector<1x2048xf32>
    %eq3A_169 = arith.constant 12 : i32
    %eq3A_170 = vector.broadcast %eq3A_169 : i32 to vector<1x2048xi32>
    %eq3A_171 = arith.cmpi eq, %min3A_97, %eq3A_170 : vector<1x2048xi32>
    %jit3A_172 = arith.constant 2.074300e+00 : f32
    %broadcast_in_dim3A_173 = vector.broadcast %jit3A_172 : f32 to vector<1x2048xf32>
    %select_n3A_174 = arith.select %eq3A_171, %broadcast_in_dim3A_173, %select_n3A_168 : vector<1x2048xi1>, vector<1x2048xf32>
    %eq3A_175 = arith.constant 13 : i32
    %eq3A_176 = vector.broadcast %eq3A_175 : i32 to vector<1x2048xi32>
    %eq3A_177 = arith.cmpi eq, %min3A_97, %eq3A_176 : vector<1x2048xi32>
    %jit3A_178 = arith.constant 2.233400e+00 : f32
    %broadcast_in_dim3A_179 = vector.broadcast %jit3A_178 : f32 to vector<1x2048xf32>
    %select_n3A_180 = arith.select %eq3A_177, %broadcast_in_dim3A_179, %select_n3A_174 : vector<1x2048xi1>, vector<1x2048xf32>
    %eq3A_181 = arith.constant 14 : i32
    %eq3A_182 = vector.broadcast %eq3A_181 : i32 to vector<1x2048xi32>
    %eq3A_183 = arith.cmpi eq, %min3A_97, %eq3A_182 : vector<1x2048xi32>
    %jit3A_184 = arith.constant 2.389500e+00 : f32
    %broadcast_in_dim3A_185 = vector.broadcast %jit3A_184 : f32 to vector<1x2048xf32>
    %select_n3A_186 = arith.select %eq3A_183, %broadcast_in_dim3A_185, %select_n3A_180 : vector<1x2048xi1>, vector<1x2048xf32>
    %eq3A_187 = arith.constant 15 : i32
    %eq3A_188 = vector.broadcast %eq3A_187 : i32 to vector<1x2048xi32>
    %eq3A_189 = arith.cmpi eq, %min3A_97, %eq3A_188 : vector<1x2048xi32>
    %jit3A_190 = arith.constant 2.535600e+00 : f32
    %broadcast_in_dim3A_191 = vector.broadcast %jit3A_190 : f32 to vector<1x2048xf32>
    %select_n3A_192 = arith.select %eq3A_189, %broadcast_in_dim3A_191, %select_n3A_186 : vector<1x2048xi1>, vector<1x2048xf32>
    %eq3A_193 = arith.constant 16 : i32
    %eq3A_194 = vector.broadcast %eq3A_193 : i32 to vector<1x2048xi32>
    %eq3A_195 = arith.cmpi eq, %min3A_97, %eq3A_194 : vector<1x2048xi32>
    %jit3A_196 = arith.constant 2.662500e+00 : f32
    %broadcast_in_dim3A_197 = vector.broadcast %jit3A_196 : f32 to vector<1x2048xf32>
    %select_n3A_198 = arith.select %eq3A_195, %broadcast_in_dim3A_197, %select_n3A_192 : vector<1x2048xi1>, vector<1x2048xf32>
    %eq3A_199 = arith.constant 17 : i32
    %eq3A_200 = vector.broadcast %eq3A_199 : i32 to vector<1x2048xi32>
    %eq3A_201 = arith.cmpi eq, %min3A_97, %eq3A_200 : vector<1x2048xi32>
    %jit3A_202 = arith.constant 2.793300e+00 : f32
    %broadcast_in_dim3A_203 = vector.broadcast %jit3A_202 : f32 to vector<1x2048xf32>
    %select_n3A_204 = arith.select %eq3A_201, %broadcast_in_dim3A_203, %select_n3A_198 : vector<1x2048xi1>, vector<1x2048xf32>
    %get3A_205 = arith.constant 0 : index
    %get3A_206 = vector.load %arg6[%get3A_205] : memref<2048xf32, #tpu.memory_space<vmem>>, vector<2048xf32>
    %reshape3A_207 = vector.shape_cast %get3A_206 : vector<2048xf32> to vector<1x2048xf32>
    %mul3A = arith.mulf %select_n3A_204, %reshape3A_207 : vector<1x2048xf32>
    %sub3A = arith.subf %reshape3A_9, %reshape3A_6 : vector<1x2048xf32>
    %add3A_208 = arith.constant 1.1920929E-7 : f32
    %add3A_209 = vector.broadcast %add3A_208 : f32 to vector<1x2048xf32>
    %add3A_210 = arith.addf %sub3A, %add3A_209 : vector<1x2048xf32>
    %div3A = arith.divf %mul3A, %add3A_210 : vector<1x2048xf32>
    %sub3A_211 = arith.subf %reshape3A_3, %reshape3A : vector<1x2048xf32>
    %add3A_212 = arith.constant 1.1920929E-7 : f32
    %add3A_213 = vector.broadcast %add3A_212 : f32 to vector<1x2048xf32>
    %add3A_214 = arith.addf %sub3A_211, %add3A_213 : vector<1x2048xf32>
    %div3A_215 = arith.divf %mul3A, %add3A_214 : vector<1x2048xf32>
    %iota3A = tpu.iota {dimensions = array<i32: 0>} : vector<256x1xi32>
    %convert_element_type3A_216 = arith.sitofp %iota3A : vector<256x1xi32> to vector<256x1xf32>
    %mul3A_217 = arith.constant 3.906250e-03 : f32
    %mul3A_218 = vector.broadcast %mul3A_217 : f32 to vector<256x1xf32>
    %mul3A_219 = arith.mulf %convert_element_type3A_216, %mul3A_218 : vector<256x1xf32>
    %add3A_220 = arith.constant 0.000000e+00 : f32
    %add3A_221 = vector.broadcast %add3A_220 : f32 to vector<256x1xf32>
    %add3A_222 = arith.addf %add3A_221, %mul3A_219 : vector<256x1xf32>
    %add3A_223 = arith.constant 3.906250e-03 : f32
    %add3A_224 = vector.broadcast %add3A_223 : f32 to vector<256x1xf32>
    %add3A_225 = arith.addf %add3A_222, %add3A_224 : vector<256x1xf32>
    %mul3A_226 = arith.constant 3.906250e-03 : f32
    %mul3A_227 = vector.broadcast %mul3A_226 : f32 to vector<256x1xf32>
    %mul3A_228 = arith.mulf %convert_element_type3A_216, %mul3A_227 : vector<256x1xf32>
    %add3A_229 = arith.constant 0.000000e+00 : f32
    %add3A_230 = vector.broadcast %add3A_229 : f32 to vector<256x1xf32>
    %add3A_231 = arith.addf %add3A_230, %mul3A_228 : vector<256x1xf32>
    %add3A_232 = arith.constant 3.906250e-03 : f32
    %add3A_233 = vector.broadcast %add3A_232 : f32 to vector<256x1xf32>
    %add3A_234 = arith.addf %add3A_231, %add3A_233 : vector<256x1xf32>
    %min3A_235 = vector.broadcast %reshape3A_3 : vector<1x2048xf32> to vector<256x2048xf32>
    %min3A_236 = vector.broadcast %add3A_225 : vector<256x1xf32> to vector<256x2048xf32>
    %min3A_237 = arith.minimumf %min3A_235, %min3A_236 : vector<256x2048xf32>
    %max3A = vector.broadcast %reshape3A : vector<1x2048xf32> to vector<256x2048xf32>
    %max3A_238 = vector.broadcast %add3A_222 : vector<256x1xf32> to vector<256x2048xf32>
    %max3A_239 = arith.maximumf %max3A, %max3A_238 : vector<256x2048xf32>
    %sub3A_240 = arith.subf %min3A_237, %max3A_239 : vector<256x2048xf32>
    %max3A_241 = arith.constant 0.000000e+00 : f32
    %max3A_242 = vector.broadcast %max3A_241 : f32 to vector<256x2048xf32>
    %max3A_243 = arith.maximumf %sub3A_240, %max3A_242 : vector<256x2048xf32>
    %min3A_244 = vector.broadcast %reshape3A_9 : vector<1x2048xf32> to vector<256x2048xf32>
    %min3A_245 = vector.broadcast %add3A_234 : vector<256x1xf32> to vector<256x2048xf32>
    %min3A_246 = arith.minimumf %min3A_244, %min3A_245 : vector<256x2048xf32>
    %max3A_247 = vector.broadcast %reshape3A_6 : vector<1x2048xf32> to vector<256x2048xf32>
    %max3A_248 = vector.broadcast %add3A_231 : vector<256x1xf32> to vector<256x2048xf32>
    %max3A_249 = arith.maximumf %max3A_247, %max3A_248 : vector<256x2048xf32>
    %sub3A_250 = arith.subf %min3A_246, %max3A_249 : vector<256x2048xf32>
    %max3A_251 = arith.constant 0.000000e+00 : f32
    %max3A_252 = vector.broadcast %max3A_251 : f32 to vector<256x2048xf32>
    %max3A_253 = arith.maximumf %sub3A_250, %max3A_252 : vector<256x2048xf32>
    %convert_element_type3A_254 = arith.truncf %max3A_243 : vector<256x2048xf32> to vector<256x2048xbf16>
    %convert_element_type3A_255 = arith.truncf %max3A_253 : vector<256x2048xf32> to vector<256x2048xbf16>
    %convert_element_type3A_256 = arith.truncf %div3A : vector<1x2048xf32> to vector<1x2048xbf16>
    %convert_element_type3A_257 = arith.truncf %div3A_215 : vector<1x2048xf32> to vector<1x2048xbf16>
    %eq3A_258 = arith.constant 0 : i32
    %eq3A_259 = arith.cmpi eq, %arg0, %eq3A_258 : i32
    %convert_element_type3A_260 = arith.extui %eq3A_259 : i1 to i32
    %cond3A = arith.constant 0 : i32
    %cond3A_261 = arith.cmpi ne, %convert_element_type3A_260, %cond3A : i32
    scf.if %cond3A_261 {
      %broadcast_in_dim3A_287 = arith.constant 0.000000e+00 : f32
      %broadcast_in_dim3A_288 = vector.broadcast %broadcast_in_dim3A_287 : f32 to vector<512x256xf32>
      %swap3A_289 = arith.constant 0 : index
      %swap3A_290 = arith.constant 0 : index
      %swap3A_291 = vector.load %arg9[%swap3A_289, %swap3A_290] : memref<512x256xf32, #tpu.memory_space<vmem>>, vector<512x256xf32>
      tpu.vector_store %arg9[%swap3A_289, %swap3A_290], %broadcast_in_dim3A_288 {strides = array<i32>} : memref<512x256xf32, #tpu.memory_space<vmem>>, vector<512x256xf32>,
    } else {
    }
    %get3A_262 = arith.constant 0 : index
    %get3A_263 = arith.constant 0 : index
    %get3A_264 = vector.load %arg9[%get3A_262, %get3A_263] : memref<512x256xf32, #tpu.memory_space<vmem>>, vector<256x256xf32>
    %mul3A_265 = vector.broadcast %convert_element_type3A_256 : vector<1x2048xbf16> to vector<256x2048xbf16>
    %mul3A_266 = arith.mulf %convert_element_type3A_254, %mul3A_265 : vector<256x2048xbf16>
    %dot_general3A = arith.constant dense<0.000000e+00> : vector<256x256xf32>
    %dot_general3A_267 = tpu.matmul %mul3A_266, %convert_element_type3A_255, %dot_general3A {dimension_numbers = #tpu.dot_dimension_numbers<[1], [1], [0], [0], [0, 0, 1, 0], [], []>, transpose_lhs_hint = false} : vector<256x2048xbf16>, vector<256x2048xbf16>, vector<256x256xf32> -> vector<256x256xf32>
    %add3A_268 = arith.addf %get3A_264, %dot_general3A_267 : vector<256x256xf32>
    %swap3A = arith.constant 0 : index
    %swap3A_269 = arith.constant 0 : index
    %swap3A_270 = vector.load %arg9[%swap3A, %swap3A_269] : memref<512x256xf32, #tpu.memory_space<vmem>>, vector<256x256xf32>
    tpu.vector_store %arg9[%swap3A, %swap3A_269], %add3A_268 {strides = array<i32>} : memref<512x256xf32, #tpu.memory_space<vmem>>, vector<256x256xf32>,
    %get3A_271 = arith.constant 256 : index
    %get3A_272 = arith.constant 0 : index
    %get3A_273 = vector.load %arg9[%get3A_271, %get3A_272] : memref<512x256xf32, #tpu.memory_space<vmem>>, vector<256x256xf32>
    %mul3A_274 = vector.broadcast %convert_element_type3A_257 : vector<1x2048xbf16> to vector<256x2048xbf16>
    %mul3A_275 = arith.mulf %convert_element_type3A_254, %mul3A_274 : vector<256x2048xbf16>
    %dot_general3A_276 = arith.constant dense<0.000000e+00> : vector<256x256xf32>
    %dot_general3A_277 = tpu.matmul %mul3A_275, %convert_element_type3A_255, %dot_general3A_276 {dimension_numbers = #tpu.dot_dimension_numbers<[1], [1], [0], [0], [0, 0, 1, 0], [], []>, transpose_lhs_hint = false} : vector<256x2048xbf16>, vector<256x2048xbf16>, vector<256x256xf32> -> vector<256x256xf32>
    %add3A_278 = arith.addf %get3A_273, %dot_general3A_277 : vector<256x256xf32>
    %swap3A_279 = arith.constant 256 : index
    %swap3A_280 = arith.constant 0 : index
    %swap3A_281 = vector.load %arg9[%swap3A_279, %swap3A_280] : memref<512x256xf32, #tpu.memory_space<vmem>>, vector<256x256xf32>
    tpu.vector_store %arg9[%swap3A_279, %swap3A_280], %add3A_278 {strides = array<i32>} : memref<512x256xf32, #tpu.memory_space<vmem>>, vector<256x256xf32>,
    %eq3A_282 = arith.constant 9 : i32
    %eq3A_283 = arith.cmpi eq, %arg0, %eq3A_282 : i32
    %convert_element_type3A_284 = arith.extui %eq3A_283 : i1 to i32
    %cond3A_285 = arith.constant 0 : i32
    %cond3A_286 = arith.cmpi ne, %convert_element_type3A_284, %cond3A_285 : i32
    scf.if %cond3A_286 {
      %get3A_287 = arith.constant 0 : index
      %get3A_288 = arith.constant 0 : index
      %get3A_289 = vector.load %arg9[%get3A_287, %get3A_288] : memref<512x256xf32, #tpu.memory_space<vmem>>, vector<512x256xf32>
      %slice3A = vector.extract_strided_slice %get3A_289 {offsets = [0, 0], sizes = [256, 256], strides = [1, 1]} : vector<512x256xf32> to vector<256x256xf32>
      %mul3A_290 = arith.constant 6.553600e+00 : f32
      %mul3A_291 = vector.broadcast %mul3A_290 : f32 to vector<256x256xf32>
      %mul3A_292 = arith.mulf %slice3A, %mul3A_291 : vector<256x256xf32>
      %slice3A_293 = vector.extract_strided_slice %get3A_289 {offsets = [256, 0], sizes = [256, 256], strides = [1, 1]} : vector<512x256xf32> to vector<256x256xf32>
      %mul3A_294 = arith.constant 6.553600e+00 : f32
      %mul3A_295 = vector.broadcast %mul3A_294 : f32 to vector<256x256xf32>
      %mul3A_296 = arith.mulf %slice3A_293, %mul3A_295 : vector<256x256xf32>
      %max3A_297 = arith.maximumf %mul3A_292, %mul3A_296 : vector<256x256xf32>
      %jit3A_298 = arith.constant 5.000000e-01 : f32
      %jit3A_299 = arith.constant 2.000000e+00 : f32
      %max3A_300 = vector.broadcast %jit3A_298 : f32 to vector<256x256xf32>
      %max3A_301 = arith.maximumf %max3A_300, %max3A_297 : vector<256x256xf32>
      %min3A_302 = vector.broadcast %jit3A_299 : f32 to vector<256x256xf32>
      %min3A_303 = arith.minimumf %min3A_302, %max3A_301 : vector<256x256xf32>
      %swap3A_304 = arith.constant 0 : index
      %swap3A_305 = arith.constant 0 : index
      %swap3A_306 = vector.load %arg7[%swap3A_304, %swap3A_305] : memref<256x256xf32, #tpu.memory_space<vmem>>, vector<256x256xf32>
      tpu.vector_store %arg7[%swap3A_304, %swap3A_305], %min3A_303 {strides = array<i32>} : memref<256x256xf32, #tpu.memory_space<vmem>>, vector<256x256xf32>,
      %reshape3A_307 = vector.shape_cast %min3A_303 : vector<256x256xf32> to vector<65536xf32>
      %swap3A_308 = arith.constant 0 : index
      %swap3A_309 = vector.load %arg8[%swap3A_308] : memref<65536xf32, #tpu.memory_space<vmem>>, vector<65536xf32>
      tpu.vector_store %arg8[%swap3A_308], %reshape3A_307 {strides = array<i32>} : memref<65536xf32, #tpu.memory_space<vmem>>, vector<65536xf32>,
    } else {
    }
    return
  }
  func.func @transform_0(%arg0: i32) -> i32 {
    %c0_i32 = arith.constant 0 : i32
    return %arg0 : i32
  }
  func.func @transform_1(%arg0: i32) -> i32 {
    %c0_i32 = arith.constant 0 : i32
    return %arg0 : i32
  }
  func.func @transform_2(%arg0: i32) -> i32 {
    %c0_i32 = arith.constant 0 : i32
    return %arg0 : i32
  }
  func.func @transform_3(%arg0: i32) -> i32 {
    %c0_i32 = arith.constant 0 : i32
    return %arg0 : i32
  }
  func.func @transform_4(%arg0: i32) -> i32 {
    %c0_i32 = arith.constant 0 : i32
    return %arg0 : i32
  }
  func.func @transform_5(%arg0: i32) -> i32 {
    %c0_i32 = arith.constant 0 : i32
    return %arg0 : i32
  }
  func.func @transform_6(%arg0: i32) -> (i32, i32) {
    %c0_i32 = arith.constant 0 : i32
    %c0_i32_0 = arith.constant 0 : i32
    %c0_i32_1 = arith.constant 0 : i32
    return %c0_i32, %c0_i32_0 : i32, i32
  }
  func.func @transform_7(%arg0: i32) -> i32 {
    %c0_i32 = arith.constant 0 : i32
    %c0_i32_0 = arith.constant 0 : i32
    return %c0_i32 : i32
  }
}

module attributes {stable_mosaic.version = 14 : i64} {
  func.func @_instance_body(%arg0: i32, %arg1: memref<1024xf32, #tpu.memory_space<vmem>>, %arg2: memref<1024xf32, #tpu.memory_space<vmem>>, %arg3: memref<1024xf32, #tpu.memory_space<vmem>>, %arg4: memref<1024xf32, #tpu.memory_space<vmem>>, %arg5: memref<256x256xf32, #tpu.memory_space<vmem>>, %arg6: memref<1024xf32, #tpu.memory_space<vmem>>) attributes {dimension_semantics = [#tpu.dimension_semantics<arbitrary>], iteration_bounds = array<i64: 10>, scalar_prefetch = 0 : i64, scratch_operands = 0 : i64, tpu.core_type = #tpu.core_type<tc>, window_params = [{transform_indices = @transform_0, window_bounds = array<i64: 1024>}, {transform_indices = @transform_1, window_bounds = array<i64: 1024>}, {transform_indices = @transform_2, window_bounds = array<i64: 1024>}, {transform_indices = @transform_3, window_bounds = array<i64: 1024>}, {pipeline_mode = #tpu.pipeline_mode<synchronous>, transform_indices = @transform_4, window_bounds = array<i64: 256, 256>}, {transform_indices = @transform_5, window_bounds = array<i64: 1024>}]} {
    %get3A = arith.constant 0 : index
    %get3A_0 = vector.load %arg1[%get3A] : memref<1024xf32, #tpu.memory_space<vmem>>, vector<1024xf32>
    %reshape3A = vector.shape_cast %get3A_0 : vector<1024xf32> to vector<1x1024xf32>
    %get3A_1 = arith.constant 0 : index
    %get3A_2 = vector.load %arg2[%get3A_1] : memref<1024xf32, #tpu.memory_space<vmem>>, vector<1024xf32>
    %reshape3A_3 = vector.shape_cast %get3A_2 : vector<1024xf32> to vector<1x1024xf32>
    %get3A_4 = arith.constant 0 : index
    %get3A_5 = vector.load %arg3[%get3A_4] : memref<1024xf32, #tpu.memory_space<vmem>>, vector<1024xf32>
    %reshape3A_6 = vector.shape_cast %get3A_5 : vector<1024xf32> to vector<1x1024xf32>
    %get3A_7 = arith.constant 0 : index
    %get3A_8 = vector.load %arg4[%get3A_7] : memref<1024xf32, #tpu.memory_space<vmem>>, vector<1024xf32>
    %reshape3A_9 = vector.shape_cast %get3A_8 : vector<1024xf32> to vector<1x1024xf32>
    %iota3A = tpu.iota {dimensions = array<i32: 0>} : vector<256x1xi32>
    %convert_element_type3A = arith.sitofp %iota3A : vector<256x1xi32> to vector<256x1xf32>
    %mul3A = arith.constant 3.906250e-03 : f32
    %mul3A_10 = vector.broadcast %mul3A : f32 to vector<256x1xf32>
    %mul3A_11 = arith.mulf %convert_element_type3A, %mul3A_10 : vector<256x1xf32>
    %add3A = arith.constant 0.000000e+00 : f32
    %add3A_12 = vector.broadcast %add3A : f32 to vector<256x1xf32>
    %add3A_13 = arith.addf %add3A_12, %mul3A_11 : vector<256x1xf32>
    %mul3A_14 = arith.constant 3.906250e-03 : f32
    %mul3A_15 = vector.broadcast %mul3A_14 : f32 to vector<256x1xf32>
    %mul3A_16 = arith.mulf %convert_element_type3A, %mul3A_15 : vector<256x1xf32>
    %add3A_17 = arith.constant 0.000000e+00 : f32
    %add3A_18 = vector.broadcast %add3A_17 : f32 to vector<256x1xf32>
    %add3A_19 = arith.addf %add3A_18, %mul3A_16 : vector<256x1xf32>
    %add3A_20 = arith.addf %reshape3A, %reshape3A_6 : vector<1x1024xf32>
    %add3A_21 = arith.constant 3.906250e-03 : f32
    %add3A_22 = vector.broadcast %add3A_21 : f32 to vector<256x1xf32>
    %add3A_23 = arith.addf %add3A_13, %add3A_22 : vector<256x1xf32>
    %min3A = vector.broadcast %add3A_20 : vector<1x1024xf32> to vector<256x1024xf32>
    %min3A_24 = vector.broadcast %add3A_23 : vector<256x1xf32> to vector<256x1024xf32>
    %min3A_25 = arith.minimumf %min3A, %min3A_24 : vector<256x1024xf32>
    %max3A = vector.broadcast %reshape3A : vector<1x1024xf32> to vector<256x1024xf32>
    %max3A_26 = vector.broadcast %add3A_13 : vector<256x1xf32> to vector<256x1024xf32>
    %max3A_27 = arith.maximumf %max3A, %max3A_26 : vector<256x1024xf32>
    %sub3A = arith.subf %min3A_25, %max3A_27 : vector<256x1024xf32>
    %max3A_28 = arith.constant 0.000000e+00 : f32
    %max3A_29 = vector.broadcast %max3A_28 : f32 to vector<256x1024xf32>
    %max3A_30 = arith.maximumf %sub3A, %max3A_29 : vector<256x1024xf32>
    %add3A_31 = arith.addf %reshape3A_3, %reshape3A_9 : vector<1x1024xf32>
    %add3A_32 = arith.constant 3.906250e-03 : f32
    %add3A_33 = vector.broadcast %add3A_32 : f32 to vector<256x1xf32>
    %add3A_34 = arith.addf %add3A_19, %add3A_33 : vector<256x1xf32>
    %min3A_35 = vector.broadcast %add3A_31 : vector<1x1024xf32> to vector<256x1024xf32>
    %min3A_36 = vector.broadcast %add3A_34 : vector<256x1xf32> to vector<256x1024xf32>
    %min3A_37 = arith.minimumf %min3A_35, %min3A_36 : vector<256x1024xf32>
    %max3A_38 = vector.broadcast %reshape3A_3 : vector<1x1024xf32> to vector<256x1024xf32>
    %max3A_39 = vector.broadcast %add3A_19 : vector<256x1xf32> to vector<256x1024xf32>
    %max3A_40 = arith.maximumf %max3A_38, %max3A_39 : vector<256x1024xf32>
    %sub3A_41 = arith.subf %min3A_37, %max3A_40 : vector<256x1024xf32>
    %max3A_42 = arith.constant 0.000000e+00 : f32
    %max3A_43 = vector.broadcast %max3A_42 : f32 to vector<256x1024xf32>
    %max3A_44 = arith.maximumf %sub3A_41, %max3A_43 : vector<256x1024xf32>
    %get3A_45 = arith.constant 0 : index
    %get3A_46 = arith.constant 0 : index
    %get3A_47 = vector.load %arg5[%get3A_45, %get3A_46] : memref<256x256xf32, #tpu.memory_space<vmem>>, vector<256x256xf32>
    %convert_element_type3A_48 = arith.truncf %get3A_47 : vector<256x256xf32> to vector<256x256xbf16>
    %convert_element_type3A_49 = arith.truncf %max3A_44 : vector<256x1024xf32> to vector<256x1024xbf16>
    %dot_general3A = arith.constant dense<0.000000e+00> : vector<256x1024xf32>
    %dot_general3A_50 = tpu.matmul %convert_element_type3A_48, %convert_element_type3A_49, %dot_general3A {dimension_numbers = #tpu.dot_dimension_numbers<[1], [0], [0], [1], [0, 0, 1, 1], [], []>, transpose_lhs_hint = false} : vector<256x256xbf16>, vector<256x1024xbf16>, vector<256x1024xf32> -> vector<256x1024xf32>
    %mul3A_51 = arith.mulf %max3A_30, %dot_general3A_50 : vector<256x1024xf32>
    %reduce_sum3A = arith.constant dense<0.000000e+00> : vector<1024xf32>
    %reduce_sum3A_52 = vector.multi_reduction <add>, %mul3A_51, %reduce_sum3A [0] : vector<256x1024xf32> to vector<1024xf32>
    %swap3A = arith.constant 0 : index
    %swap3A_53 = vector.load %arg6[%swap3A] : memref<1024xf32, #tpu.memory_space<vmem>>, vector<1024xf32>
    tpu.vector_store %arg6[%swap3A], %reduce_sum3A_52 {strides = array<i32>} : memref<1024xf32, #tpu.memory_space<vmem>>, vector<1024xf32>,
    return
  }
  func.func @transform_0(%arg0: i32) -> i32 {
    %c0_i32 = arith.constant 0 : i32
    return %arg0 : i32
  }
  func.func @transform_1(%arg0: i32) -> i32 {
    %c0_i32 = arith.constant 0 : i32
    return %arg0 : i32
  }
  func.func @transform_2(%arg0: i32) -> i32 {
    %c0_i32 = arith.constant 0 : i32
    return %arg0 : i32
  }
  func.func @transform_3(%arg0: i32) -> i32 {
    %c0_i32 = arith.constant 0 : i32
    return %arg0 : i32
  }
  func.func @transform_4(%arg0: i32) -> (i32, i32) {
    %c0_i32 = arith.constant 0 : i32
    %c0_i32_0 = arith.constant 0 : i32
    %c0_i32_1 = arith.constant 0 : i32
    return %c0_i32, %c0_i32_0 : i32, i32
  }
  func.func @transform_5(%arg0: i32) -> i32 {
    %c0_i32 = arith.constant 0 : i32
    return %arg0 : i32
  }
}

</mosaic_0001>

<sc_bundles>
// kernel: kernel.6.cloned.1.call-start
scs
__scs_entry_jumppad:
0x0: {  	(pc) =	sbr.rel $0x88, $3  }
0x1: {  	(tag) =	ssettag $0x0;
	lr =	simm.s32 $0x1  }
0x2: {  	[smem:$0x3F9A] =	sst lr;
	_ =	strace $0xD0000000  }
0x3: {  	_ = 	snop  }
0x4: {  	_ = 	snop  }
0x5: {  	_ = 	snop  }
0x6: {  	_ = 	snop  }
0x7: {  	_ = 	snop  }
__scs_overlays_trampoline_lowered:
0x8: {  	[smem:$0x3FA9] =	sst s0  }
0x9: {  	[smem:$0x3FAA] =	sst s1  }
0xa: {  	[smem:$0x3FAB] =	sst s2  }
0xb: {  	[smem:$0x3FAC] =	sst s3  }
0xc: {  	[smem:$0x3FAD] =	sst s4  }
0xd: {  	[smem:$0x3FAE] =	sst s5  }
0xe: {  	[smem:$0x3FAF] =	sst s6  }
0xf: {  	[smem:$0x3FB0] =	sst s7  }
0x10: {  	[smem:$0x3FB1] =	sst s8  }
0x11: {  	[smem:$0x3FB2] =	sst s9;
	s0 =	simm.s32 @!p0 $0x0  }
0x12: {  	s1 =	sld [smem:$0x3F98];
	s0 =	simm.s32 @p0 $0x1  }
0x13: {  	[smem:$0x3FB3] =	sst s0;
	s0 =	simm.s32 @!p1 $0x0  }
0x14: {  	s2 =	sld [smem:$0x3F97];
	s0 =	simm.s32 @p1 $0x1  }
0x15: {  	[smem:$0x3FB4] =	sst s0;
	s0 =	simm.s32 @!p2 $0x0  }
0x16: {  	s3 =	sld [smem:$0x3FDB];
	s0 =	simm.s32 @p2 $0x1  }
0x17: {  	s4 =	simm.s32 $0x1BF5;
	[smem:$0x3FB6] =	sst s0  }
0x18: {  	s0 =	sld [smem:$0x3F99];
	_ =	swait.ge [sflag:s4], $0x0  }
0x19: {  	s7 =	sld [smem:$0x3F9A]  }
0x1a: {  	s8 =	sadd.s32 $0xFFFFE003, lr  }
0x1b: {  	s9 =	sadd.s32 $0xFFFFFEF7, lr;
	s5 =	simm.s32 $0xFFFFFFFF;
	p2 =	slt.u32 s8, $0xFFFFF086  }
0x1c: {  	p1 =	slt.u32 s9, $0xF7A;
	s5 =	simm.s32 @!p2 $0x0  }
0x1d: {  	s5 =	simm.s32 @p1 $0x1;
	p0 =	seq.s32 s7, s2  }
0x1e: {  	s7 =	smul.u32 @!p0 $0xF7A, s2;
	p2 =	seq.s32 @!p0 s5, $0x0  }
0x1f: {  	s9 =	smul.u32 $0xF7A, s1;
	s8 =	simm.s32 @!p0 $0x1BF5;
	p2 =	por !p2, p0  }
0x20: {  	[sflag:s8] =	ssyncset.s32 @!p0 $0xFFFFF086;
	s6 =	sadd.s32 @!p0 s3, s7;
	s7 =	simm.s32 @!p0 $0x108  }
0x21: {  	s3 =	sadd.s32 s3, s9;
	s6 =	sadd.s32 @!p0 $0x88, s6;
	s7 =	simm.s32 @p2 $0x1082  }
0x22: {  	[simem:s7], [sflag:s8] =	dma.local @!p0 [hbm:s6], $0xF7A  }
0x23: {  	s9 =	sor.u32 $0xD0000000, s2;
	s6 =	simm.s32 $0x108;
	_ =	swait.ge @!p0 [sflag:s8], $0x0  }
0x24: {  	s3 =	sadd.s32 $0x88, s3;
	s6 =	simm.s32 @!p1 $0x1082;
	[sflag:s4] =	ssyncset.s32 $0xFFFFF086  }
0x25: {  	[simem:s6], [sflag:s4] =	dma.local [hbm:s3], $0xF7A  }
0x26: {  	[smem:$0x3F9A] =	sst s1;
	(tag) =	ssettag s2;
	_ =	strace s9  }
0x27: {  	s1 =	sld [smem:$0x3FAA]  }
0x28: {  	s2 =	sld [smem:$0x3FAB]  }
0x29: {  	s4 =	sld [smem:$0x3FAD]  }
0x2a: {  	p0 =	seq.s32 s5, $0x0;
	s5 =	sld [smem:$0x3FAE]  }
0x2b: {  	s6 =	sld [smem:$0x3FAF]  }
0x2c: {  	s7 =	sld [smem:$0x3FB0]  }
0x2d: {  	s3 =	simm.s32 $0x108;
	s8 =	sld [smem:$0x3FB1]  }
0x2e: {  	s3 =	simm.s32 @!p0 $0x1082;
	s9 =	sld [smem:$0x3FB2]  }
0x2f: {  	lr =	sadd.s32 s0, s3;
	s0 =	sld [smem:$0x3FA9]  }
0x30: {  	s3 =	sld [smem:$0x3FAC]  }
0x31: {  	[smem:$0x3FB5] =	sst s10  }
0x32: {  	s10 =	sld [smem:$0x3FB3];
	_ =	sdelay $0x3  }
0x33: {  	p0 =	seq.s32 s10, $0x1;
	s10 =	sld [smem:$0x3FB5];
	_ =	sdelay $0x3  }
0x34: {  	[smem:$0x3FB5] =	sst s10  }
0x35: {  	s10 =	sld [smem:$0x3FB4];
	_ =	sdelay $0x3  }
0x36: {  	p1 =	seq.s32 s10, $0x1;
	s10 =	sld [smem:$0x3FB5];
	_ =	sdelay $0x3  }
0x37: {  	[smem:$0x3FB5] =	sst s10  }
0x38: {  	s10 =	sld [smem:$0x3FB6]  }
0x39: {  	_ = 	snop;
	(pc) =	sbr.ind lr, $3  }
0x3a: {  	_ = 	snop  }
0x3b: {  	_ = 	snop  }
0x3c: {  	p2 =	seq.s32 s10, $0x1;
	s10 =	sld [smem:$0x3FB5]  }
0x3d: {  	_ =	shalt  }
0x3e: {  	_ =	shalt  }
0x3f: {  	_ =	shalt  }
0x40: {  	_ =	shalt  }
0x41: {  	_ =	shalt  }
0x42: {  	_ =	shalt  }
0x43: {  	_ =	shalt  }
0x44: {  	_ =	shalt  }
0x45: {  	_ =	shalt  }
0x46: {  	_ =	shalt  }
0x47: {  	_ =	shalt  }
0x48: {  	_ =	shalt  }
0x49: {  	_ =	shalt  }
0x4a: {  	_ =	shalt  }
0x4b: {  	_ =	shalt  }
0x4c: {  	_ =	shalt  }
0x4d: {  	_ =	shalt  }
0x4e: {  	_ =	shalt  }
0x4f: {  	_ =	shalt  }
0x50: {  	_ =	shalt  }
0x51: {  	_ =	shalt  }
0x52: {  	_ =	shalt  }
0x53: {  	_ =	shalt  }
0x54: {  	_ =	shalt  }
0x55: {  	_ =	shalt  }
0x56: {  	_ =	shalt  }
0x57: {  	_ =	shalt  }
0x58: {  	_ =	shalt  }
0x59: {  	_ =	shalt  }
0x5a: {  	_ =	shalt  }
0x5b: {  	_ =	shalt  }
0x5c: {  	_ =	shalt  }
0x5d: {  	_ =	shalt  }
0x5e: {  	_ =	shalt  }
0x5f: {  	_ =	shalt  }
0x60: {  	_ =	shalt  }
0x61: {  	_ =	shalt  }
0x62: {  	_ =	shalt  }
0x63: {  	_ =	shalt  }
0x64: {  	_ =	shalt  }
0x65: {  	_ =	shalt  }
0x66: {  	_ =	shalt  }
0x67: {  	_ =	shalt  }
0x68: {  	_ =	shalt  }
0x69: {  	_ =	shalt  }
0x6a: {  	_ =	shalt  }
0x6b: {  	_ =	shalt  }
0x6c: {  	_ =	shalt  }
0x6d: {  	_ =	shalt  }
0x6e: {  	_ =	shalt  }
0x6f: {  	_ =	shalt  }
0x70: {  	_ =	shalt  }
0x71: {  	_ =	shalt  }
0x72: {  	_ =	shalt  }
0x73: {  	_ =	shalt  }
0x74: {  	_ =	shalt  }
0x75: {  	_ =	shalt  }
0x76: {  	_ =	shalt  }
0x77: {  	_ =	shalt  }
0x78: {  	_ =	shalt  }
0x79: {  	_ =	shalt  }
0x7a: {  	_ =	shalt  }
0x7b: {  	_ =	shalt  }
0x7c: {  	_ =	shalt  }
0x7d: {  	_ =	shalt  }
0x7e: {  	_ =	shalt  }
0x7f: {  	_ =	shalt  }
0x80: {  	_ =	shalt  }
0x81: {  	_ =	shalt  }
0x82: {  	_ =	shalt  }
0x83: {  	_ =	shalt  }
0x84: {  	_ =	shalt  }
0x85: {  	_ =	shalt  }
0x86: {  	_ =	shalt  }
0x87: {  	_ =	shalt  }
.Lfunc_end0:
.L_simem_size_0:
called_computation_lowered:
.L_overlay_start_0:
0x88: {  	s2 =	sld [smem:$0x3FD9]  }
0x89: {  	s3 =	sld [smem:$0x3FFE];
	_ =	sdelay $0x1  }
0x8a: {  	s1 =	srdreg.scid  }
0x8b: {  	s0 =	sand.u32 $0x1, s1  }
0x8c: {  	s17 =	sshll.u32 s0, $0xA;
	s2 =	sadd.s32 s3, s2  }
0x8d: {  	s2 =	sadd.s32 s2, s17  }
0x8e: {  	[smem:$0x3FC1] =	sst s2  }
0x8f: {  	_ = 	snop  }
0x90: {  	s2 =	sld [smem:$0x3FD0];
	(tm) =	ssettm $0x1  }
0x91: {  	s18 =	sld [smem:$0x3FFB];
	_ =	sdelay $0x3  }
0x92: {  	_ =	strace s18  }
0x93: {  	s3 =	sld [smem:$0x3FFC];
	_ =	sdelay $0x3  }
0x94: {  	_ =	strace s3  }
0x95: {  	s3 =	sld [smem:$0x3FFD];
	_ =	sdelay $0x3  }
0x96: {  	_ =	strace s3  }
0x97: {  	_ =	strace $0x8FFFFFFF  }
0x98: {  	s19 =	sld [smem:$0x3FDB];
	_ =	sdelay $0x1  }
0x99: {  	s4 =	simm.s32 $_scs_section_size  }
0x9a: {  	s5 =	simm.s32 $_size__tile_overlayer_lowered;
	s6 =	simm.s32 $_tile_overlayer_lowered  }
0x9b: {  	s22 =	simm.s32 $0x1BFF;
	s21 =	sshll.u32 s6, $0x1;
	s3 =	sadd.s32 s4, s19  }
0x9c: {  	s7 =	simm.s32 $0x0;
	s20 =	sshll.u32 s5, $0x1;
	s5 =	sadd.s32 s21, s3  }
0x9d: {  	[timem:s7], [sflag:s22] =	dma.local [hbm:s5], s20  }
0x9e: {  	_ =	swait.ge [sflag:s22], s20  }
0x9f: {  	s4 =	ssub.s32 $0x0, s20;
	[sflag:s22] =	ssyncset.done $0x0  }
0xa0: {  	[sflag:s22] =	ssyncadd.s32 s4;
	_ =	sdelay $0x1  }
0xa1: {  	s23 =	simm.s32 $0x1B8B  }
0xa2: {  	_ =	swait.ge [sflag:s23], $0x1  }
0xa3: {  	[sflag:s23] =	ssyncset.done $0x0  }
0xa4: {  	s25 =	simm.s32 $0x1B8E;
	s24 =	sld [smem:$0x3FFE];
	[sflag:s23] =	ssyncadd.s32 $0xFFFFFFFF  }
0xa5: {  	s26 =	simm.s32 $execute0_lowered;
	[smem:$0x3FD2] =	sst s25  }
0xa6: {  	s5 =	sshll.u32 s26, $0x1;
	_ =	strace $0x80000046;
	[dreg:$0x1] =	wrdreg $0xFFFFFFFF  }
0xa7: {  	s28 =	simm.s32 $_size_execute0_lowered;
	s3 =	sadd.s32 s3, s5;
	[dreg:$0x0] =	wrdreg $0x0  }
0xa8: {  	s5 =	sshll.u32 s28, $0x1;
	[dreg:$0x2] =	wrdreg s3  }
0xa9: {  	[dreg:$0x3] =	wrdreg s5  }
0xaa: {  	[dreg:$0x4] =	wrdreg $0xC0  }
0xab: {  	_ =	task [dreg:s7], $0x5FFFF  }
0xac: {  	[dreg:$0x1] =	wrdreg $0xFFFFFFFF  }
0xad: {  	[dreg:$0x0] =	wrdreg $0x60  }
0xae: {  	[dreg:$0x2] =	wrdreg s24  }
0xaf: {  	[dreg:$0x3] =	wrdreg s2  }
0xb0: {  	[dreg:$0x4] =	wrdreg $0x9  }
0xb1: {  	_ =	task.clear_ibuf [dreg:s7], $0x5FFFF;
	_ =	strace $0x90000046  }
0xb2: {  	s29 =	simm.s32 $0x9;
	_ =	strace $0x80000048  }
0xb3: {  	_ =	swait.ge [sflag:s29], $0x1  }
0xb4: {  	[sflag:s29] =	ssyncadd.s32 $0xFFFFFFFF  }
0xb5: {  	_ =	strace $0x90000048  }
0xb6: {  	_ =	sfence  }
0xb7: {  	s30 =	sld [smem:$0x0];
	_ =	sdelay $0x2  }
0xb8: {  	s31 =	sshll.u32 s1, $0xD;
	s1 =	sshrl.u32 s1, $0x2  }
0xb9: {  	s3 =	sand.u32 $0x4000, s31;
	s1 =	sadd.s32 s1, s30  }
0xba: {  	s0 =	sor.u32 s3, s0;
	s1 =	sshll.u32 s1, $0x11  }
0xbb: {  	s0 =	sor.u32 s1, s0  }
0xbc: {  	s0 =	sadd.s32 $0x8F2B, s0  }
0xbd: {  	[sflag:s0] =	ssyncadd.remote.s32 $0x1  }
0xbe: {  	_ =	sfence.sel $0xFFFF  }
0xbf: {  	[dreg:$0x0] =	wrdreg $0xFFFFFFFF;
	(pc) =	sbr.abs _section_cstart, $3  }
0xc0: {  	[dreg:$0x1] =	wrdreg $0xFFFFFFFF  }
0xc1: {  	_ =	task.clear_ibuf [dreg:s7], $0x2FFFF;
	_ =	strace $0x9FFFFFFF  }
0xc2: {  	(tm) =	ssettm $0x7FFFFFFF  }
0xc3: {  	_ =	shalt  }
tec
execute0_lowered:
.L_overlay_start_1:
0x0: {  	(tag) =	ssettag $0x1  }
0x1: {  	s5 =	rddreg [dreg:$0x0]  }
0x2: {  	s6 =	rddreg [dreg:$0x1];
	s1 =	srdreg.scid  }
0x3: {  	s0 =	rddreg [dreg:$0x2];
	s2 =	simm.s32 $0x0;
	s12 =	simm.s32 $0x80  }
0x4: {  	s13 =	simm.s32 $0x1;
	s14 =	simm.s32 $0xC80;
	s15 =	simm.s32 $0x1900  }
0x5: {  	s16 =	simm.s32 $0x2580;
	s17 =	simm.s32 $0x2800;
	s4 =	sand.u32 $0x1, s1  }
0x6: {  	s18 =	simm.s32 $0x2A80;
	s1 =	stileid.u32;
	s3 =	sshll.u32 s4, $0x4  }
0x7: {  	s19 =	simm.s32 $0x2D00;
	s20 =	simm.s32 $0x0;
	s7 =	sor.u32 s1, s3  }
0x8: {  	[smem:$0x7FF] =	sst s2;
	s9 =	ssub.s32 $0x2, s4;
	s8 =	smul.u32 $0x190, s7  }
0x9: {  	v0 =	vlaneseq.u32;
	_ =	strace $0x80000047;
	s10 =	sshrl.u32 s9, $0x1;
	s7 =	smul.u32 $0x50, s7  }
0xa: {  	v0 =	vmul.u32 $0x5, v0;
	s4 =	sadd.s32 $0x2600, s5;
	s3 =	sadd.s32 $0x5800, s5;
	s10 =	ssub.s32 s9, s10  }
0xb: {  	s10 =	smax.u32 s10, $0x1;
	s8 =	sadd.s32 s8, s5;
	s11 =	sadd.s32 s7, s5  }
0xc: {  	v1 =	vadd.s32 $0x1, v0;
	s6 =	sadd.s32 s6, s7;
	s5 =	sadd.s32 $0x8A00, s8;
	s7 =	sadd.s32 $0xBC00, s11  }
0xd: {  	v2 =	vadd.s32 $0x2, v0;
	v3 =	vadd.s32 $0x3, v0;
	v4 =	vadd.s32 $0x4, v0;
	s8 =	sadd.s32 $0xC600, s11;
	s9 =	sadd.s32 $0xD000, s11;
	s11 =	simm.s32 $0x2  }
.LBB2_1:
0xe: {  	[tilespmem:s2], [sflag:$0x2] =	stream.linear.gather [hbm4b:s5+s2], $0xC80, $0x38;
	[tilespmem:$0x2F80] =	vst v63  }
0xf: {  	_ =	swait.ge [sflag:s11], $0xC80  }
0x10: {  	[sflag:s11] =	ssyncset.done $0x0  }
0x11: {  	s22 =	simm.s32 $0x0;
	s21 =	simm.s32 $0xC80;
	[sflag:s11] =	ssyncadd.s32 $0xFFFFF380  }
0x12: {  	[tilespmem:s21], [sflag:$0x1] =	stream.indirect.gather [hbm4b:s3+s12], $0x1, s22, s12, $0xb8;
	[tilespmem:$0x2F80] =	vst v63  }
0x13: {  	s23 =	simm.s32 $0x1900;
	s21 =	simm.s32 $0x200  }
.LBB2_2:
0x14: {  	[tilespmem:s23], [sflag:$0x1] =	stream.indirect.gather [hbm4b:s4+s12], $0x1, s22, s12, $0xb8;
	[tilespmem:$0x2F80] =	vst v63  }
0x15: {  	s22 =	smov.u32 s21;
	p0 =	sne.s32 s21, $0x3000  }
.Ltmp0:
0x16: {  	s21 =	sadd.s32 $0x200, s21;
	(pc) =	sbr.rel @p0 .LBB2_2-.Ltmp0, $4  }
0x17: {  	s22 =	sshra.s32 s22, $0x2  }
0x18: {  	s23 =	sadd.s32 $0xC80, s22  }
0x19: {  	[tilespmem:s23], [sflag:$0x1] =	stream.indirect.gather [hbm4b:s3+s12], $0x1, s22, s12, $0xb8;
	[tilespmem:$0x2F80] =	vst v63  }
0x1a: {  	s23 =	sadd.s32 $0x1900, s22  }
0x1b: {  	[tilespmem:s23], [sflag:$0x1] =	stream.indirect.gather [hbm4b:s4+s12], $0x1, s22, s12, $0xb8;
	[tilespmem:$0x2F80] =	vst v63  }
0x1c: {  	_ =	swait.ge [sflag:s13], $0x80  }
0x1d: {  	[sflag:s13] =	ssyncset.done $0x0  }
0x1e: {  	[sflag:s13] =	ssyncadd.s32 $0xFFFFFF80  }
0x1f: {  	_ =	swait.ge [sflag:s13], $0x80  }
0x20: {  	s21 =	simm.s32 $0x18;
	[sflag:s13] =	ssyncset.done $0x0  }
.LBB2_4:
0x21: {  	p0 =	sne.s32 s21, $0x1;
	s21 =	sadd.s32 $0xFFFFFFFF, s21;
	[sflag:s13] =	ssyncadd.s32 $0xFFFFFF80  }
.Ltmp1:
0x22: {  	_ =	swait.ge [sflag:s13], $0x80;
	(pc) =	sbr.rel @p0 .LBB2_4-.Ltmp1, $4  }
0x23: {  	[sflag:s13] =	ssyncset.done $0x0  }
0x24: {  	[sflag:s13] =	ssyncadd.s32 $0xFFFFFF80  }
0x25: {  	_ =	swait.ge [sflag:s13], $0x80  }
0x26: {  	[sflag:s13] =	ssyncset.done $0x0  }
0x27: {  	s21 =	simm.s32 $0x0  }
0x28: {  	v5 =	vadd.s32 s21, v0;
	_ =	sdelay $0x1  }
0x29: {  	v6 =	vadd.s32 s21, v1;
	_ =	sdelay $0x1  }
0x2a: {  	[sflag:s13] =	ssyncadd.s32 $0xFFFFFF80;
	v7 =	vadd.s32 s21, v2  }
0x2b: {  	v8 =	vld.idx.msk [tilespmem:v5+s15+$0x0], $0xffff  }
0x2c: {  	v9 =	vadd.s32 s21, v3;
	v5 =	vld.idx.msk [tilespmem:v5+s14+$0x0], $0xffff  }
0x2d: {  	v11 =	vadd.s32 s21, v4;
	v10 =	vld.idx.msk [tilespmem:v6+s15+$0x0], $0xffff  }
0x2e: {  	v6 =	vld.idx.msk [tilespmem:v6+s14+$0x0], $0xffff  }
0x2f: {  	v12 =	vld.idx.msk [tilespmem:v7+s14+$0x0], $0xffff  }
0x30: {  	v7 =	vld.idx.msk [tilespmem:v7+s15+$0x0], $0xffff  }
0x31: {  	v13 =	vld.idx.msk [tilespmem:v9+s14+$0x0], $0xffff  }
0x32: {  	v14 =	vld.idx.msk [tilespmem:v11+s14+$0x0], $0xffff  }
0x33: {  	s25 =	simm.s32 $0x50;
	v9 =	vld.idx.msk [tilespmem:v9+s15+$0x0], $0xffff  }
0x34: {  	v15 =	vadd.s32 s25, v0;
	v11 =	vld.idx.msk [tilespmem:v11+s15+$0x0], $0xffff;
	v16 =	vmin.f32 v5, v6  }
0x35: {  	v5 =	vmax.f32 v5, v6;
	v6 =	vmin.f32 v8, v10;
	v16 =	vmin.f32 v16, v12  }
0x36: {  	v8 =	vmax.f32 v8, v10;
	v5 =	vmax.f32 v5, v12;
	v10 =	vmin.f32 v16, v13  }
0x37: {  	s22 =	simm.s32 $0x2580;
	v6 =	vmin.f32 v6, v7;
	v5 =	vmax.f32 v5, v13;
	v10 =	vmin.f32 v10, v14  }
0x38: {  	s21 =	simm.s32 $0x2800;
	v7 =	vmax.f32 v8, v7;
	v6 =	vmin.f32 v6, v9;
	v5 =	vmax.f32 v5, v14;
	[tilespmem:s22+$0x0] =	vst v10  }
0x39: {  	s23 =	simm.s32 $0x2A80;
	v8 =	vadd.s32 s25, v1;
	v7 =	vmax.f32 v7, v9;
	v6 =	vmin.f32 v6, v11;
	[tilespmem:s21+$0x0] =	vst v5  }
0x3a: {  	s24 =	simm.s32 $0x2D00;
	v5 =	vmax.f32 v7, v11;
	[tilespmem:s23+$0x0] =	vst v6  }
0x3b: {  	v9 =	vadd.s32 s25, v2;
	[tilespmem:s24+$0x0] =	vst v5  }
0x3c: {  	v5 =	vld.idx.msk [tilespmem:v15+s15+$0x0], $0xffff  }
0x3d: {  	v10 =	vadd.s32 s25, v3;
	v7 =	vld.idx.msk [tilespmem:v15+s14+$0x0], $0xffff  }
0x3e: {  	v6 =	vld.idx.msk [tilespmem:v8+s15+$0x0], $0xffff  }
0x3f: {  	v11 =	vadd.s32 s25, v4;
	s25 =	simm.s32 $0xA0;
	v8 =	vld.idx.msk [tilespmem:v8+s14+$0x0], $0xffff  }
.LBB2_6:
0x40: {  	p0 =	sne.s32 s25, $0xC30;
	v12 =	vld.idx.msk [tilespmem:v9+s14+$0x0], $0xffff  }
0x41: {  	v9 =	vld.idx.msk [tilespmem:v9+s15+$0x0], $0xffff  }
0x42: {  	v13 =	vld.idx.msk [tilespmem:v10+s14+$0x0], $0xffff  }
0x43: {  	v10 =	vld.idx.msk [tilespmem:v10+s15+$0x0], $0xffff  }
0x44: {  	v14 =	vld.idx.msk [tilespmem:v11+s14+$0x0], $0xffff  }
0x45: {  	v11 =	vld.idx.msk [tilespmem:v11+s15+$0x0], $0xffff;
	_ =	sdelay $0x1  }
0x46: {  	v15 =	vadd.s32 s25, v0;
	v16 =	vmin.f32 v7, v8  }
0x47: {  	v7 =	vmax.f32 v7, v8;
	v8 =	vmin.f32 v5, v6;
	v16 =	vmin.f32 v16, v12  }
0x48: {  	v5 =	vmax.f32 v5, v6;
	v6 =	vmax.f32 v7, v12;
	v7 =	vmin.f32 v16, v13  }
0x49: {  	s22 =	sadd.s32 $0x10, s22;
	v8 =	vmin.f32 v8, v9;
	v6 =	vmax.f32 v6, v13;
	v7 =	vmin.f32 v7, v14  }
0x4a: {  	s21 =	sadd.s32 $0x10, s21;
	v5 =	vmax.f32 v5, v9;
	v8 =	vmin.f32 v8, v10;
	v6 =	vmax.f32 v6, v14;
	[tilespmem:s22+$0x0] =	vst v7  }
0x4b: {  	s23 =	sadd.s32 $0x10, s23;
	v12 =	vadd.s32 s25, v1;
	v5 =	vmax.f32 v5, v10;
	v7 =	vmin.f32 v8, v11;
	[tilespmem:s21+$0x0] =	vst v6  }
0x4c: {  	s24 =	sadd.s32 $0x10, s24;
	v5 =	vmax.f32 v5, v11;
	[tilespmem:s23+$0x0] =	vst v7  }
.Ltmp2:
0x4d: {  	v9 =	vadd.s32 s25, v2;
	[tilespmem:s24+$0x0] =	vst v5;
	(pc) =	sbr.rel @p0 .LBB2_6-.Ltmp2, $4  }
0x4e: {  	v5 =	vld.idx.msk [tilespmem:v15+s15+$0x0], $0xffff  }
0x4f: {  	v10 =	vadd.s32 s25, v3;
	v7 =	vld.idx.msk [tilespmem:v15+s14+$0x0], $0xffff  }
0x50: {  	v6 =	vld.idx.msk [tilespmem:v12+s15+$0x0], $0xffff  }
0x51: {  	v11 =	vadd.s32 s25, v4;
	s25 =	sadd.s32 $0x50, s25;
	v8 =	vld.idx.msk [tilespmem:v12+s14+$0x0], $0xffff  }
0x52: {  	_ =	sdelay $0x3  }
0x53: {  	v12 =	vld.idx.msk [tilespmem:v9+s14+$0x0], $0xffff  }
0x54: {  	v60 =	vld.idx.msk [tilespmem:v9+s15+$0x0], $0xffff  }
0x55: {  	v13 =	vld.idx.msk [tilespmem:v10+s14+$0x0], $0xffff  }
0x56: {  	v14 =	vld.idx.msk [tilespmem:v11+s14+$0x0], $0xffff  }
0x57: {  	v61 =	vld.idx.msk [tilespmem:v10+s15+$0x0], $0xffff  }
0x58: {  	v62 =	vld.idx.msk [tilespmem:v11+s15+$0x0], $0xffff;
	v15 =	vmin.f32 v7, v8  }
0x59: {  	v63 =	vmin.f32 v5, v6;
	v7 =	vmax.f32 v7, v8;
	v15 =	vmin.f32 v15, v12  }
0x5a: {  	v5 =	vmax.f32 v5, v6;
	v6 =	vmax.f32 v7, v12;
	v7 =	vmin.f32 v15, v13  }
0x5b: {  	s22 =	sadd.s32 $0x10, s22;
	v8 =	vmin.f32 v63, v60;
	v6 =	vmax.f32 v6, v13;
	v7 =	vmin.f32 v7, v14  }
0x5c: {  	s21 =	sadd.s32 $0x10, s21;
	v5 =	vmax.f32 v5, v60;
	v8 =	vmin.f32 v8, v61;
	v6 =	vmax.f32 v6, v14;
	[tilespmem:s22+$0x0] =	vst v7  }
0x5d: {  	s30 =	sadd.s32 $0x10, s23;
	v5 =	vmax.f32 v5, v61;
	v7 =	vmin.f32 v8, v62;
	[tilespmem:s21+$0x0] =	vst v6  }
0x5e: {  	s31 =	sadd.s32 $0x10, s24;
	v5 =	vmax.f32 v5, v62;
	[tilespmem:s30+$0x0] =	vst v7  }
0x5f: {  	[tilespmem:s31+$0x0] =	vst v5  }
0x60: {  	[hbm4b:s6+s2] =	stream.linear.scatter [tilespmem:s16], [sflag:$0x2], $0x280, $0x38;
	[tilespmem:$0x2F80] =	vst v63  }
0x61: {  	_ =	swait.ge [sflag:s11], $0x280  }
0x62: {  	[sflag:s11] =	ssyncset.done $0x0  }
0x63: {  	[sflag:s11] =	ssyncadd.s32 $0xFFFFFD80  }
0x64: {  	[hbm4b:s7+s2] =	stream.linear.scatter [tilespmem:s17], [sflag:$0x2], $0x280, $0x38;
	[tilespmem:$0x2F80] =	vst v63  }
0x65: {  	_ =	swait.ge [sflag:s11], $0x280  }
0x66: {  	[sflag:s11] =	ssyncset.done $0x0  }
0x67: {  	[sflag:s11] =	ssyncadd.s32 $0xFFFFFD80  }
0x68: {  	[hbm4b:s8+s2] =	stream.linear.scatter [tilespmem:s18], [sflag:$0x2], $0x280, $0x38;
	[tilespmem:$0x2F80] =	vst v63  }
0x69: {  	s20 =	sadd.s32 $0x1, s20;
	_ =	swait.ge [sflag:s11], $0x280  }
0x6a: {  	p0 =	sne.s32 s20, s10;
	[sflag:s11] =	ssyncset.done $0x0  }
.Ltmp3:
0x6b: {  	[sflag:s11] =	ssyncadd.s32 $0xFFFFFD80;
	(pc) =	sbr.rel @p0 .LBB2_1-.Ltmp3, $4  }
0x6c: {  	[hbm4b:s9+s2] =	stream.linear.scatter [tilespmem:s19], [sflag:$0x2], $0x280, $0x38;
	[tilespmem:$0x2F80] =	vst v63  }
0x6d: {  	_ =	swait.ge [sflag:s11], $0x280  }
0x6e: {  	[sflag:s11] =	ssyncset.done $0x0  }
0x6f: {  	[sflag:s11] =	ssyncadd.s32 $0xFFFFFD80  }
0x70: {  	_ =	sfence.sel $0x180000  }
0x71: {  	[bflag:$0x0] =	sbarrier.arrive $0xFFFF  }
0x72: {  	p0 =	sne.s32 s1, $0x0;
	_ =	strace $0x90000047  }
0x73: {  	s0 =	sadd.s32 @!p0 $0x100000, s0;
	[bflag:$0x2] =	sbarrier.arrive $0xFFFF  }
0x74: {  	[sflag:s0] =	ssyncadd.tile.s32 @!p0 $0x1;
	_ =	shalt  }
.Lfunc_end2:
_tile_overlayer_lowered:
.L_overlay_start_2:
0x75: {  	(tag) =	ssettag $0x2  }
0x76: {  	s0 =	rddreg [dreg:$0x0];
	s2 =	stileid.u32  }
0x77: {  	s1 =	rddreg [dreg:$0x1];
	p0 =	sne.s32 s2, $0x0  }
0x78: {  	s3 =	rddreg [dreg:$0x2];
	[bflag:$0x3] =	sbarrier.arrive $0xFFFF;
	s2 =	simm.s32 @!p0 $0x1C02  }
0x79: {  	[timem:s3], [sflag:s2] =	dma.local @!p0 [hbm:s0], s1  }
0x7a: {  	s0 =	simm.s32 @!p0 $0x2  }
0x7b: {  	_ =	swait.ge @!p0 [sflag:s0], s1  }
0x7c: {  	s1 =	ssub.s32 @!p0 $0x0, s1;
	[sflag:s0] =	ssyncset.done @!p0 $0x0  }
0x7d: {  	[sflag:s0] =	ssyncadd.s32 @!p0 s1  }
0x7e: {  	[bflag:$0x3] =	sbarrier.arrive $0xFFFF  }
0x7f: {  	_ =	shalt  }

// kernel: kernel.9.cloned.1.call-start
scs
__scs_entry_jumppad:
0x0: {  	(pc) =	sbr.rel $0x88, $3  }
0x1: {  	(tag) =	ssettag $0x0;
	lr =	simm.s32 $0x1  }
0x2: {  	[smem:$0x3F9A] =	sst lr;
	_ =	strace $0xD0000000  }
0x3: {  	_ = 	snop  }
0x4: {  	_ = 	snop  }
0x5: {  	_ = 	snop  }
0x6: {  	_ = 	snop  }
0x7: {  	_ = 	snop  }
__scs_overlays_trampoline_lowered:
0x8: {  	[smem:$0x3FA9] =	sst s0  }
0x9: {  	[smem:$0x3FAA] =	sst s1  }
0xa: {  	[smem:$0x3FAB] =	sst s2  }
0xb: {  	[smem:$0x3FAC] =	sst s3  }
0xc: {  	[smem:$0x3FAD] =	sst s4  }
0xd: {  	[smem:$0x3FAE] =	sst s5  }
0xe: {  	[smem:$0x3FAF] =	sst s6  }
0xf: {  	[smem:$0x3FB0] =	sst s7  }
0x10: {  	[smem:$0x3FB1] =	sst s8  }
0x11: {  	[smem:$0x3FB2] =	sst s9;
	s0 =	simm.s32 @!p0 $0x0  }
0x12: {  	s1 =	sld [smem:$0x3F98];
	s0 =	simm.s32 @p0 $0x1  }
0x13: {  	[smem:$0x3FB3] =	sst s0;
	s0 =	simm.s32 @!p1 $0x0  }
0x14: {  	s2 =	sld [smem:$0x3F97];
	s0 =	simm.s32 @p1 $0x1  }
0x15: {  	[smem:$0x3FB4] =	sst s0;
	s0 =	simm.s32 @!p2 $0x0  }
0x16: {  	s3 =	sld [smem:$0x3FDB];
	s0 =	simm.s32 @p2 $0x1  }
0x17: {  	s4 =	simm.s32 $0x1BF5;
	[smem:$0x3FB6] =	sst s0  }
0x18: {  	s0 =	sld [smem:$0x3F99];
	_ =	swait.ge [sflag:s4], $0x0  }
0x19: {  	s7 =	sld [smem:$0x3F9A]  }
0x1a: {  	s8 =	sadd.s32 $0xFFFFE003, lr  }
0x1b: {  	s9 =	sadd.s32 $0xFFFFFEF7, lr;
	s5 =	simm.s32 $0xFFFFFFFF;
	p2 =	slt.u32 s8, $0xFFFFF086  }
0x1c: {  	p1 =	slt.u32 s9, $0xF7A;
	s5 =	simm.s32 @!p2 $0x0  }
0x1d: {  	s5 =	simm.s32 @p1 $0x1;
	p0 =	seq.s32 s7, s2  }
0x1e: {  	s7 =	smul.u32 @!p0 $0xF7A, s2;
	p2 =	seq.s32 @!p0 s5, $0x0  }
0x1f: {  	s9 =	smul.u32 $0xF7A, s1;
	s8 =	simm.s32 @!p0 $0x1BF5;
	p2 =	por !p2, p0  }
0x20: {  	[sflag:s8] =	ssyncset.s32 @!p0 $0xFFFFF086;
	s6 =	sadd.s32 @!p0 s3, s7;
	s7 =	simm.s32 @!p0 $0x108  }
0x21: {  	s3 =	sadd.s32 s3, s9;
	s6 =	sadd.s32 @!p0 $0x88, s6;
	s7 =	simm.s32 @p2 $0x1082  }
0x22: {  	[simem:s7], [sflag:s8] =	dma.local @!p0 [hbm:s6], $0xF7A  }
0x23: {  	s9 =	sor.u32 $0xD0000000, s2;
	s6 =	simm.s32 $0x108;
	_ =	swait.ge @!p0 [sflag:s8], $0x0  }
0x24: {  	s3 =	sadd.s32 $0x88, s3;
	s6 =	simm.s32 @!p1 $0x1082;
	[sflag:s4] =	ssyncset.s32 $0xFFFFF086  }
0x25: {  	[simem:s6], [sflag:s4] =	dma.local [hbm:s3], $0xF7A  }
0x26: {  	[smem:$0x3F9A] =	sst s1;
	(tag) =	ssettag s2;
	_ =	strace s9  }
0x27: {  	s1 =	sld [smem:$0x3FAA]  }
0x28: {  	s2 =	sld [smem:$0x3FAB]  }
0x29: {  	s4 =	sld [smem:$0x3FAD]  }
0x2a: {  	p0 =	seq.s32 s5, $0x0;
	s5 =	sld [smem:$0x3FAE]  }
0x2b: {  	s6 =	sld [smem:$0x3FAF]  }
0x2c: {  	s7 =	sld [smem:$0x3FB0]  }
0x2d: {  	s3 =	simm.s32 $0x108;
	s8 =	sld [smem:$0x3FB1]  }
0x2e: {  	s3 =	simm.s32 @!p0 $0x1082;
	s9 =	sld [smem:$0x3FB2]  }
0x2f: {  	lr =	sadd.s32 s0, s3;
	s0 =	sld [smem:$0x3FA9]  }
0x30: {  	s3 =	sld [smem:$0x3FAC]  }
0x31: {  	[smem:$0x3FB5] =	sst s10  }
0x32: {  	s10 =	sld [smem:$0x3FB3];
	_ =	sdelay $0x3  }
0x33: {  	p0 =	seq.s32 s10, $0x1;
	s10 =	sld [smem:$0x3FB5];
	_ =	sdelay $0x3  }
0x34: {  	[smem:$0x3FB5] =	sst s10  }
0x35: {  	s10 =	sld [smem:$0x3FB4];
	_ =	sdelay $0x3  }
0x36: {  	p1 =	seq.s32 s10, $0x1;
	s10 =	sld [smem:$0x3FB5];
	_ =	sdelay $0x3  }
0x37: {  	[smem:$0x3FB5] =	sst s10  }
0x38: {  	s10 =	sld [smem:$0x3FB6]  }
0x39: {  	_ = 	snop;
	(pc) =	sbr.ind lr, $3  }
0x3a: {  	_ = 	snop  }
0x3b: {  	_ = 	snop  }
0x3c: {  	p2 =	seq.s32 s10, $0x1;
	s10 =	sld [smem:$0x3FB5]  }
0x3d: {  	_ =	shalt  }
0x3e: {  	_ =	shalt  }
0x3f: {  	_ =	shalt  }
0x40: {  	_ =	shalt  }
0x41: {  	_ =	shalt  }
0x42: {  	_ =	shalt  }
0x43: {  	_ =	shalt  }
0x44: {  	_ =	shalt  }
0x45: {  	_ =	shalt  }
0x46: {  	_ =	shalt  }
0x47: {  	_ =	shalt  }
0x48: {  	_ =	shalt  }
0x49: {  	_ =	shalt  }
0x4a: {  	_ =	shalt  }
0x4b: {  	_ =	shalt  }
0x4c: {  	_ =	shalt  }
0x4d: {  	_ =	shalt  }
0x4e: {  	_ =	shalt  }
0x4f: {  	_ =	shalt  }
0x50: {  	_ =	shalt  }
0x51: {  	_ =	shalt  }
0x52: {  	_ =	shalt  }
0x53: {  	_ =	shalt  }
0x54: {  	_ =	shalt  }
0x55: {  	_ =	shalt  }
0x56: {  	_ =	shalt  }
0x57: {  	_ =	shalt  }
0x58: {  	_ =	shalt  }
0x59: {  	_ =	shalt  }
0x5a: {  	_ =	shalt  }
0x5b: {  	_ =	shalt  }
0x5c: {  	_ =	shalt  }
0x5d: {  	_ =	shalt  }
0x5e: {  	_ =	shalt  }
0x5f: {  	_ =	shalt  }
0x60: {  	_ =	shalt  }
0x61: {  	_ =	shalt  }
0x62: {  	_ =	shalt  }
0x63: {  	_ =	shalt  }
0x64: {  	_ =	shalt  }
0x65: {  	_ =	shalt  }
0x66: {  	_ =	shalt  }
0x67: {  	_ =	shalt  }
0x68: {  	_ =	shalt  }
0x69: {  	_ =	shalt  }
0x6a: {  	_ =	shalt  }
0x6b: {  	_ =	shalt  }
0x6c: {  	_ =	shalt  }
0x6d: {  	_ =	shalt  }
0x6e: {  	_ =	shalt  }
0x6f: {  	_ =	shalt  }
0x70: {  	_ =	shalt  }
0x71: {  	_ =	shalt  }
0x72: {  	_ =	shalt  }
0x73: {  	_ =	shalt  }
0x74: {  	_ =	shalt  }
0x75: {  	_ =	shalt  }
0x76: {  	_ =	shalt  }
0x77: {  	_ =	shalt  }
0x78: {  	_ =	shalt  }
0x79: {  	_ =	shalt  }
0x7a: {  	_ =	shalt  }
0x7b: {  	_ =	shalt  }
0x7c: {  	_ =	shalt  }
0x7d: {  	_ =	shalt  }
0x7e: {  	_ =	shalt  }
0x7f: {  	_ =	shalt  }
0x80: {  	_ =	shalt  }
0x81: {  	_ =	shalt  }
0x82: {  	_ =	shalt  }
0x83: {  	_ =	shalt  }
0x84: {  	_ =	shalt  }
0x85: {  	_ =	shalt  }
0x86: {  	_ =	shalt  }
0x87: {  	_ =	shalt  }
.Lfunc_end0:
.L_simem_size_0:
called_computation.1_lowered:
.L_overlay_start_0:
0x88: {  	s2 =	sld [smem:$0x3FD9]  }
0x89: {  	s3 =	sld [smem:$0x3FFE];
	_ =	sdelay $0x1  }
0x8a: {  	s1 =	srdreg.scid  }
0x8b: {  	s0 =	sand.u32 $0x1, s1  }
0x8c: {  	s17 =	sshll.u32 s0, $0xA;
	s2 =	sadd.s32 s3, s2  }
0x8d: {  	s2 =	sadd.s32 s2, s17  }
0x8e: {  	[smem:$0x3FC1] =	sst s2  }
0x8f: {  	_ = 	snop  }
0x90: {  	s2 =	sld [smem:$0x3FC9]  }
0x91: {  	s18 =	sld [smem:$0x3FC7]  }
0x92: {  	s4 =	sld [smem:$0x3FC6];
	(tm) =	ssettm $0x1  }
0x93: {  	s5 =	sld [smem:$0x3FFB];
	_ =	sdelay $0x3  }
0x94: {  	_ =	strace s5  }
0x95: {  	s5 =	sld [smem:$0x3FFC];
	_ =	sdelay $0x3  }
0x96: {  	_ =	strace s5  }
0x97: {  	s5 =	sld [smem:$0x3FFD];
	_ =	sdelay $0x3  }
0x98: {  	_ =	strace s5  }
0x99: {  	_ =	strace $0x8FFFFFFF  }
0x9a: {  	s19 =	sld [smem:$0x3FDB];
	_ =	sdelay $0x1  }
0x9b: {  	s6 =	simm.s32 $_scs_section_size  }
0x9c: {  	s7 =	simm.s32 $_size__tile_overlayer_lowered;
	s8 =	simm.s32 $_tile_overlayer_lowered  }
0x9d: {  	s22 =	simm.s32 $0x1BFF;
	s21 =	sshll.u32 s8, $0x1;
	s5 =	sadd.s32 s6, s19  }
0x9e: {  	s9 =	simm.s32 $0x0;
	s20 =	sshll.u32 s7, $0x1;
	s7 =	sadd.s32 s21, s5  }
0x9f: {  	[timem:s9], [sflag:s22] =	dma.local [hbm:s7], s20  }
0xa0: {  	_ =	swait.ge [sflag:s22], s20  }
0xa1: {  	s6 =	ssub.s32 $0x0, s20;
	[sflag:s22] =	ssyncset.done $0x0  }
0xa2: {  	[sflag:s22] =	ssyncadd.s32 s6;
	_ =	sdelay $0x1  }
0xa3: {  	s23 =	simm.s32 $0x1B8B  }
0xa4: {  	_ =	swait.ge [sflag:s23], $0x1  }
0xa5: {  	[sflag:s23] =	ssyncset.done $0x0  }
0xa6: {  	s25 =	simm.s32 $0x1B8E;
	s24 =	sld [smem:$0x3FFE];
	[sflag:s23] =	ssyncadd.s32 $0xFFFFFFFF  }
0xa7: {  	s26 =	simm.s32 $execute0_lowered;
	[smem:$0x3FD2] =	sst s25  }
0xa8: {  	s7 =	sshll.u32 s26, $0x1;
	_ =	strace $0x80000049;
	[dreg:$0x1] =	wrdreg $0xFFFFFFFF  }
0xa9: {  	s28 =	simm.s32 $_size_execute0_lowered;
	s5 =	sadd.s32 s5, s7;
	[dreg:$0x0] =	wrdreg $0x0  }
0xaa: {  	s7 =	sshll.u32 s28, $0x1;
	[dreg:$0x2] =	wrdreg s5  }
0xab: {  	[dreg:$0x3] =	wrdreg s7  }
0xac: {  	[dreg:$0x4] =	wrdreg $0xC0  }
0xad: {  	_ =	task [dreg:s9], $0x5FFFF  }
0xae: {  	[dreg:$0x1] =	wrdreg $0xFFFFFFFF  }
0xaf: {  	[dreg:$0x0] =	wrdreg $0x60  }
0xb0: {  	[dreg:$0x2] =	wrdreg s2  }
0xb1: {  	[dreg:$0x3] =	wrdreg s18  }
0xb2: {  	[dreg:$0x4] =	wrdreg s4  }
0xb3: {  	[dreg:$0x5] =	wrdreg s24  }
0xb4: {  	[dreg:$0x6] =	wrdreg $0x9  }
0xb5: {  	_ =	task.clear_ibuf [dreg:s9], $0x7FFFF;
	_ =	strace $0x90000049  }
0xb6: {  	s29 =	simm.s32 $0x9;
	_ =	strace $0x8000004B  }
0xb7: {  	_ =	swait.ge [sflag:s29], $0x1  }
0xb8: {  	[sflag:s29] =	ssyncadd.s32 $0xFFFFFFFF  }
0xb9: {  	_ =	strace $0x9000004B  }
0xba: {  	_ =	sfence  }
0xbb: {  	s30 =	sld [smem:$0x0];
	_ =	sdelay $0x2  }
0xbc: {  	s31 =	sshll.u32 s1, $0xD;
	s1 =	sshrl.u32 s1, $0x2  }
0xbd: {  	s3 =	sand.u32 $0x4000, s31;
	s1 =	sadd.s32 s1, s30  }
0xbe: {  	s0 =	sor.u32 s3, s0;
	s1 =	sshll.u32 s1, $0x11  }
0xbf: {  	s0 =	sor.u32 s1, s0  }
0xc0: {  	s0 =	sadd.s32 $0x8F2B, s0  }
0xc1: {  	[sflag:s0] =	ssyncadd.remote.s32 $0x1  }
0xc2: {  	_ =	sfence.sel $0xFFFF  }
0xc3: {  	[dreg:$0x0] =	wrdreg $0xFFFFFFFF;
	(pc) =	sbr.abs _section_cstart, $3  }
0xc4: {  	[dreg:$0x1] =	wrdreg $0xFFFFFFFF  }
0xc5: {  	_ =	task.clear_ibuf [dreg:s9], $0x2FFFF;
	_ =	strace $0x9FFFFFFF  }
0xc6: {  	(tm) =	ssettm $0x7FFFFFFF  }
0xc7: {  	_ =	shalt  }
tec
execute0_lowered:
.L_overlay_start_1:
0x0: {  	(tag) =	ssettag $0x1  }
0x1: {  	s1 =	rddreg [dreg:$0x0]  }
0x2: {  	s6 =	rddreg [dreg:$0x1]  }
0x3: {  	s0 =	srdreg.scid;
	s7 =	rddreg [dreg:$0x2]  }
0x4: {  	s3 =	stileid.u32;
	s4 =	rddreg [dreg:$0x3];
	s11 =	simm.s32 $0x78  }
0x5: {  	s12 =	simm.s32 $0xFD8;
	s13 =	simm.s32 $0x26D8;
	s0 =	sand.u32 $0x1, s0  }
0x6: {  	s14 =	simm.s32 $0x1050;
	s15 =	simm.s32 $0x2750;
	s2 =	sshll.u32 s0, $0x4  }
0x7: {  	s16 =	simm.s32 $0x10C8;
	s17 =	simm.s32 $0x27C8;
	s2 =	sor.u32 s3, s2  }
0x8: {  	s18 =	simm.s32 $0x1;
	s19 =	simm.s32 $0x2880;
	s3 =	smul.u32 $0x140, s2  }
0x9: {  	s20 =	simm.s32 $0x0;
	s0 =	ssub.s32 $0x2, s0;
	s2 =	simm.s32 $0x0  }
0xa: {  	s31 =	sshrl.u32 s0, $0x1;
	[smem:$0x7FF] =	sst s2;
	s5 =	smin.u32 s3, $0x24E0  }
0xb: {  	s0 =	ssub.s32 s0, s31;
	_ =	strace $0x8000004A;
	s8 =	sshrl.u32 s5, $0x3  }
0xc: {  	s30 =	sadd.s32 $0x89A8, s5;
	s9 =	sadd.s32 s8, s4;
	s8 =	sadd.s32 $0x500, s8  }
0xd: {  	s3 =	sadd.s32 $0x2600, s4;
	s10 =	sshrl.u32 s30, $0x3;
	s4 =	sadd.s32 s1, s8  }
0xe: {  	s5 =	sadd.s32 s1, s10;
	s6 =	sadd.s32 s6, s8;
	s7 =	sadd.s32 s7, s8  }
0xf: {  	s8 =	sadd.s32 $0x4600, s9;
	s9 =	smax.u32 s0, $0x1;
	s10 =	simm.s32 $0x2  }
.LBB2_1:
0x10: {  	[tilespmem:s2], [sflag:$0x2] =	stream.linear.gather [hbm4b:s4+s2], $0x140, $0x38;
	[tilespmem:$0x2A00] =	vst v63  }
0x11: {  	_ =	swait.ge [sflag:s10], $0x140  }
0x12: {  	[sflag:s10] =	ssyncset.done $0x0  }
0x13: {  	s23 =	simm.s32 $0x180;
	[sflag:s10] =	ssyncadd.s32 $0xFFFFFEC0  }
0x14: {  	[tilespmem:s23], [sflag:$0x2] =	stream.linear.gather [hbm4b:s5+s2], $0x140, $0x38;
	[tilespmem:$0x2A00] =	vst v63  }
0x15: {  	_ =	swait.ge [sflag:s10], $0x140  }
0x16: {  	[sflag:s10] =	ssyncset.done $0x0  }
0x17: {  	s24 =	simm.s32 $0x300;
	[sflag:s10] =	ssyncadd.s32 $0xFFFFFEC0  }
0x18: {  	[tilespmem:s24], [sflag:$0x2] =	stream.linear.gather [hbm4b:s6+s2], $0x140, $0x38;
	[tilespmem:$0x2A00] =	vst v63  }
0x19: {  	_ =	swait.ge [sflag:s10], $0x140  }
0x1a: {  	[sflag:s10] =	ssyncset.done $0x0  }
0x1b: {  	s26 =	simm.s32 $0x480;
	[sflag:s10] =	ssyncadd.s32 $0xFFFFFEC0  }
0x1c: {  	[tilespmem:s26], [sflag:$0x2] =	stream.linear.gather [hbm4b:s7+s2], $0x140, $0x38;
	[tilespmem:$0x2A00] =	vst v63  }
0x1d: {  	_ =	swait.ge [sflag:s10], $0x140  }
0x1e: {  	[sflag:s10] =	ssyncset.done $0x0  }
0x1f: {  	[sflag:s10] =	ssyncadd.s32 $0xFFFFFEC0  }
0x20: {  	v0 =	vld [tilespmem:s2+$0x0];
	_ =	sdelay $0x1  }
0x21: {  	v3 =	vld [tilespmem:s23+$0x0];
	_ =	sdelay $0x2  }
0x22: {  	v1 =	vmul.f32 $2.560000000e+02, v0  }
0x23: {  	v5 =	vld [tilespmem:s26+$0x0]  }
0x24: {  	v4 =	vmul.f32 $2.560000000e+02, v3;
	v1 =	vtrunc.f32 v1  }
0x25: {  	v2 =	vcvt.f32.s32 v1  }
0x26: {  	v1 =	vtrunc.f32 v4  }
0x27: {  	v8 =	vld [tilespmem:s24+$0x0];
	v4 =	vcvt.f32.s32 v1;
	v1 =	vcvt.s32.f32 v2;
	v6 =	vadd.s32 $0x1, v2  }
0x28: {  	v5 =	vadd.f32 v5, v3;
	v7 =	vcvt.s32.f32 v6;
	v6 =	vshll.u32 v2, $0x8  }
0x29: {  	v9 =	vcvt.s32.f32 v4;
	v10 =	vadd.s32 $0x1, v4;
	v1 =	vmul.f32 $3.906250000e-03, v1  }
0x2a: {  	v11 =	vadd.s32 $0x2, v4;
	v10 =	vcvt.s32.f32 v10;
	v7 =	vmul.f32 $3.906250000e-03, v7  }
0x2b: {  	v9 =	vmul.f32 $3.906250000e-03, v9;
	v12 =	vadd.f32 $3.906250000e-03, v1;
	v13 =	vmax.f32 v0, v1  }
0x2c: {  	v1 =	vadd.f32 v8, v0;
	v8 =	vmul.f32 $3.906250000e-03, v10;
	v10 =	vcvt.s32.f32 v11  }
0x2d: {  	v14 =	vadd.f32 $3.906250000e-03, v9;
	v15 =	vmax.f32 v3, v9;
	v16 =	vadd.f32 $3.906250000e-03, v7  }
0x2e: {  	s21 =	simm.s32 $0x11C0;
	v9 =	vmin.f32 v1, v12;
	v17 =	vadd.f32 $3.906250000e-03, v8;
	v11 =	vmul.f32 $3.906250000e-03, v10  }
0x2f: {  	s22 =	simm.s32 $0x640;
	s28 =	simm.s32 $0x90;
	s29 =	simm.s32 $0x10;
	v10 =	vmax.f32 v3, v8;
	v9 =	vsub.f32 v9, v13;
	v12 =	vmin.f32 v5, v14  }
0x30: {  	s30 =	simm.s32 $0x1250;
	s31 =	simm.s32 $0x6D0;
	s25 =	simm.s32 $0x0;
	v8 =	vmin.f32 v1, v16;
	v12 =	vsub.f32 v12, v15;
	v13 =	vmin.f32 v5, v17  }
.LBB2_2:
0x31: {  	v7 =	vmax.f32 v0, v7;
	v14 =	vadd.f32 $3.906250000e-03, v11;
	v3 =	vmax.f32 v3, v11;
	s26 =	sadd.s32 $0x10, s26;
	s24 =	sadd.s32 $0x10, s24;
	s23 =	sadd.s32 $0x10, s23  }
0x32: {  	p0 =	sne.s32 s28, $0xAB0;
	v9 =	vmax.f32 v9, $0.0e+00;
	v10 =	vsub.f32 v13, v10;
	s1 =	smov.u32 s28;
	s28 =	sadd.s32 $0x90, s28;
	v11 =	vmax.f32 v12, $0.0e+00  }
0x33: {  	v4 =	vadd.s32 v4, v6;
	v5 =	vmin.f32 v5, v14;
	v6 =	vmul.f32 v11, v9  }
0x34: {  	v2 =	vadd.s32 $0x2, v2;
	v10 =	vmax.f32 v10, $0.0e+00;
	v3 =	vsub.f32 v5, v3;
	[tilespmem:s22+$0xFFFFFFC0] =	vst v4  }
0x35: {  	v2 =	vcvt.s32.f32 v2;
	v5 =	vadd.s32 $0x1, v4;
	[tilespmem:s21+$0xFFFFFFC0] =	vst v6;
	v6 =	vmul.f32 v10, v9  }
0x36: {  	v7 =	vsub.f32 v8, v7;
	v3 =	vmax.f32 v3, $0.0e+00;
	[tilespmem:s22+$0xFFFFFFD0] =	vst v5  }
0x37: {  	v2 =	vmul.f32 $3.906250000e-03, v2;
	v5 =	vadd.s32 $0x2, v4;
	[tilespmem:s21+$0xFFFFFFD0] =	vst v6;
	v6 =	vmul.f32 v3, v9  }
0x38: {  	v7 =	vmax.f32 v7, $0.0e+00;
	[tilespmem:s22+$0xFFFFFFE0] =	vst v5;
	v5 =	vadd.s32 $0x100, v4  }
0x39: {  	v8 =	vadd.f32 $3.906250000e-03, v2;
	v9 =	vmul.f32 v3, v7;
	[tilespmem:s21+$0xFFFFFFE0] =	vst v6;
	v6 =	vmul.f32 v11, v7  }
0x3a: {  	v0 =	vmax.f32 v0, v2;
	[tilespmem:s22+$0xFFFFFFF0] =	vst v5  }
0x3b: {  	v2 =	vadd.s32 $0x101, v4;
	v1 =	vmin.f32 v1, v8;
	v5 =	vmul.f32 v10, v7;
	[tilespmem:s21+$0xFFFFFFF0] =	vst v6  }
0x3c: {  	v0 =	vsub.f32 v1, v0;
	[tilespmem:s22+$0x0] =	vst v2  }
0x3d: {  	v1 =	vadd.s32 $0x102, v4;
	[tilespmem:s21+$0x0] =	vst v5  }
0x3e: {  	v0 =	vmax.f32 v0, $0.0e+00;
	[tilespmem:s22+$0x10] =	vst v1  }
0x3f: {  	v2 =	vmul.f32 v11, v0;
	v1 =	vadd.s32 $0x200, v4;
	[tilespmem:s21+$0x10] =	vst v9  }
0x40: {  	[tilespmem:s22+$0x20] =	vst v1  }
0x41: {  	v1 =	vadd.s32 $0x201, v4;
	[tilespmem:s21+$0x20] =	vst v2;
	v2 =	vmul.f32 v10, v0  }
0x42: {  	[tilespmem:s22+$0x30] =	vst v1;
	s22 =	smov.u32 s31  }
0x43: {  	s0 =	sand.u32 $0x1FF0, s25;
	s25 =	smov.u32 s1;
	v0 =	vmul.f32 v3, v0;
	v1 =	vadd.s32 $0x202, v4;
	[tilespmem:s21+$0x30] =	vst v2;
	s21 =	smov.u32 s30  }
0x44: {  	[tilespmem:s0+$0x680] =	vst v1  }
0x45: {  	[tilespmem:s0+$0x1200] =	vst v0  }
0x46: {  	v0 =	vld [tilespmem:s29+$0x0];
	_ =	sdelay $0x1  }
0x47: {  	v3 =	vld [tilespmem:s23+$0x0];
	_ =	sdelay $0x2  }
0x48: {  	v1 =	vmul.f32 $2.560000000e+02, v0  }
0x49: {  	v5 =	vld [tilespmem:s26+$0x0]  }
0x4a: {  	v1 =	vtrunc.f32 v1;
	v4 =	vmul.f32 $2.560000000e+02, v3  }
0x4b: {  	v2 =	vcvt.f32.s32 v1  }
0x4c: {  	v1 =	vld [tilespmem:s24+$0x0];
	v4 =	vtrunc.f32 v4  }
0x4d: {  	v4 =	vcvt.f32.s32 v4;
	v7 =	vcvt.s32.f32 v2;
	v6 =	vadd.s32 $0x1, v2  }
0x4e: {  	v5 =	vadd.f32 v5, v3;
	v8 =	vcvt.s32.f32 v6;
	v6 =	vshll.u32 v2, $0x8  }
0x4f: {  	v9 =	vmul.f32 $3.906250000e-03, v7;
	v10 =	vcvt.s32.f32 v4;
	v11 =	vadd.s32 $0x1, v4  }
0x50: {  	v7 =	vmul.f32 $3.906250000e-03, v8;
	v8 =	vcvt.s32.f32 v11;
	v11 =	vadd.s32 $0x2, v4  }
0x51: {  	v12 =	vadd.f32 $3.906250000e-03, v9;
	v9 =	vmax.f32 v0, v9;
	v10 =	vmul.f32 $3.906250000e-03, v10  }
.Ltmp0:
0x52: {  	v1 =	vadd.f32 v1, v0;
	v11 =	vcvt.s32.f32 v11;
	v8 =	vmul.f32 $3.906250000e-03, v8;
	(pc) =	sbr.rel @p0 .LBB2_2-.Ltmp0, $4  }
0x53: {  	v15 =	vadd.f32 $3.906250000e-03, v7;
	v13 =	vadd.f32 $3.906250000e-03, v10;
	v14 =	vmax.f32 v3, v10  }
0x54: {  	v10 =	vmin.f32 v1, v12;
	v11 =	vmul.f32 $3.906250000e-03, v11;
	v16 =	vadd.f32 $3.906250000e-03, v8  }
0x55: {  	v9 =	vsub.f32 v10, v9;
	v10 =	vmax.f32 v3, v8;
	v12 =	vmin.f32 v5, v13  }
0x56: {  	s31 =	sadd.s32 $0x90, s31;
	s30 =	sadd.s32 $0x90, s30;
	s29 =	sadd.s32 $0x10, s29;
	v8 =	vmin.f32 v1, v15;
	v12 =	vsub.f32 v12, v14;
	v13 =	vmin.f32 v5, v16  }
0x57: {  	v7 =	vmax.f32 v0, v7;
	v14 =	vadd.f32 $3.906250000e-03, v11;
	v3 =	vmax.f32 v3, v11  }
0x58: {  	v9 =	vmax.f32 v9, $0.0e+00;
	v10 =	vsub.f32 v13, v10;
	v44 =	vmax.f32 v12, $0.0e+00  }
0x59: {  	v4 =	vadd.s32 v4, v6;
	v5 =	vmin.f32 v5, v14;
	v45 =	vmul.f32 v44, v9  }
0x5a: {  	v2 =	vadd.s32 $0x2, v2;
	[tilespmem:s22+$0xFFFFFFC0] =	vst v4;
	v10 =	vmax.f32 v10, $0.0e+00;
	v3 =	vsub.f32 v5, v3  }
0x5b: {  	v2 =	vcvt.s32.f32 v2;
	v46 =	vadd.s32 $0x1, v4;
	v47 =	vmul.f32 v10, v9;
	[tilespmem:s21+$0xFFFFFFC0] =	vst v45  }
0x5c: {  	v7 =	vsub.f32 v8, v7;
	v3 =	vmax.f32 v3, $0.0e+00;
	[tilespmem:s22+$0xFFFFFFD0] =	vst v46  }
0x5d: {  	v48 =	vadd.s32 $0x2, v4;
	v2 =	vmul.f32 $3.906250000e-03, v2;
	[tilespmem:s21+$0xFFFFFFD0] =	vst v47;
	v49 =	vmul.f32 v3, v9  }
0x5e: {  	v7 =	vmax.f32 v7, $0.0e+00;
	[tilespmem:s22+$0xFFFFFFE0] =	vst v48  }
0x5f: {  	v50 =	vadd.s32 $0x100, v4;
	v52 =	vmul.f32 v44, v7;
	v51 =	vadd.f32 $3.906250000e-03, v2;
	[tilespmem:s21+$0xFFFFFFE0] =	vst v49  }
0x60: {  	v53 =	vmul.f32 v10, v7;
	[tilespmem:s22+$0xFFFFFFF0] =	vst v50  }
0x61: {  	v0 =	vmax.f32 v0, v2;
	v2 =	vadd.s32 $0x101, v4;
	v1 =	vmin.f32 v1, v51;
	[tilespmem:s21+$0xFFFFFFF0] =	vst v52  }
0x62: {  	v0 =	vsub.f32 v1, v0;
	[tilespmem:s22+$0x0] =	vst v2  }
0x63: {  	v1 =	vmul.f32 v3, v7;
	v2 =	vadd.s32 $0x102, v4;
	[tilespmem:s21+$0x0] =	vst v53  }
0x64: {  	v0 =	vmax.f32 v0, $0.0e+00;
	[tilespmem:s22+$0x10] =	vst v2  }
0x65: {  	v2 =	vmul.f32 v44, v0;
	[tilespmem:s21+$0x10] =	vst v1;
	v1 =	vadd.s32 $0x200, v4  }
0x66: {  	[tilespmem:s22+$0x20] =	vst v1  }
0x67: {  	v1 =	vadd.s32 $0x201, v4;
	[tilespmem:s21+$0x20] =	vst v2;
	v2 =	vmul.f32 v10, v0  }
0x68: {  	[tilespmem:s22+$0x30] =	vst v1  }
0x69: {  	s0 =	sand.u32 $0x1FF0, s25;
	v0 =	vmul.f32 v3, v0;
	v1 =	vadd.s32 $0x202, v4;
	[tilespmem:s21+$0x30] =	vst v2  }
0x6a: {  	[tilespmem:s0+$0x680] =	vst v1  }
0x6b: {  	s26 =	simm.s32 $0x600;
	s1 =	simm.s32 $0x1D00;
	[tilespmem:s0+$0x1200] =	vst v0  }
0x6c: {  	[tilespmem:s1], [sflag:$0x1] =	stream.indirect.gather [hbm4b:s3+s11], $0x1, s26, s11, $0xb8;
	[tilespmem:$0x2A00] =	vst v63  }
0x6d: {  	s28 =	simm.s32 $0x678;
	s29 =	simm.s32 $0x1D78  }
0x6e: {  	[tilespmem:s29], [sflag:$0x1] =	stream.indirect.gather [hbm4b:s3+s11], $0x1, s28, s11, $0xb8;
	[tilespmem:$0x2A00] =	vst v63  }
0x6f: {  	s30 =	simm.s32 $0x6F0;
	s31 =	simm.s32 $0x1DF0  }
0x70: {  	[tilespmem:s31], [sflag:$0x1] =	stream.indirect.gather [hbm4b:s3+s11], $0x1, s30, s11, $0xb8;
	[tilespmem:$0x2A00] =	vst v63  }
0x71: {  	s22 =	simm.s32 $0x1E68;
	s21 =	simm.s32 $0x768  }
0x72: {  	[tilespmem:s22], [sflag:$0x1] =	stream.indirect.gather [hbm4b:s3+s11], $0x1, s21, s11, $0xb8;
	[tilespmem:$0x2A00] =	vst v63  }
0x73: {  	s23 =	simm.s32 $0x7E0;
	s24 =	simm.s32 $0x1EE0  }
0x74: {  	[tilespmem:s24], [sflag:$0x1] =	stream.indirect.gather [hbm4b:s3+s11], $0x1, s23, s11, $0xb8;
	[tilespmem:$0x2A00] =	vst v63  }
0x75: {  	s25 =	simm.s32 $0x858;
	s26 =	simm.s32 $0x1F58  }
0x76: {  	[tilespmem:s26], [sflag:$0x1] =	stream.indirect.gather [hbm4b:s3+s11], $0x1, s25, s11, $0xb8;
	[tilespmem:$0x2A00] =	vst v63  }
0x77: {  	s28 =	simm.s32 $0x8D0;
	s29 =	simm.s32 $0x1FD0  }
0x78: {  	[tilespmem:s29], [sflag:$0x1] =	stream.indirect.gather [hbm4b:s3+s11], $0x1, s28, s11, $0xb8;
	[tilespmem:$0x2A00] =	vst v63  }
0x79: {  	s30 =	simm.s32 $0x948;
	s31 =	simm.s32 $0x2048  }
0x7a: {  	[tilespmem:s31], [sflag:$0x1] =	stream.indirect.gather [hbm4b:s3+s11], $0x1, s30, s11, $0xb8;
	[tilespmem:$0x2A00] =	vst v63  }
0x7b: {  	s21 =	simm.s32 $0x9C0;
	s22 =	simm.s32 $0x20C0  }
0x7c: {  	[tilespmem:s22], [sflag:$0x1] =	stream.indirect.gather [hbm4b:s3+s11], $0x1, s21, s11, $0xb8;
	[tilespmem:$0x2A00] =	vst v63  }
0x7d: {  	s23 =	simm.s32 $0xA38;
	s24 =	simm.s32 $0x2138  }
0x7e: {  	[tilespmem:s24], [sflag:$0x1] =	stream.indirect.gather [hbm4b:s3+s11], $0x1, s23, s11, $0xb8;
	[tilespmem:$0x2A00] =	vst v63  }
0x7f: {  	s25 =	simm.s32 $0xAB0;
	s26 =	simm.s32 $0x21B0  }
0x80: {  	[tilespmem:s26], [sflag:$0x1] =	stream.indirect.gather [hbm4b:s3+s11], $0x1, s25, s11, $0xb8;
	[tilespmem:$0x2A00] =	vst v63  }
0x81: {  	s28 =	simm.s32 $0xB28;
	s29 =	simm.s32 $0x2228  }
0x82: {  	[tilespmem:s29], [sflag:$0x1] =	stream.indirect.gather [hbm4b:s3+s11], $0x1, s28, s11, $0xb8;
	[tilespmem:$0x2A00] =	vst v63  }
0x83: {  	s30 =	simm.s32 $0xBA0;
	s31 =	simm.s32 $0x22A0  }
0x84: {  	[tilespmem:s31], [sflag:$0x1] =	stream.indirect.gather [hbm4b:s3+s11], $0x1, s30, s11, $0xb8;
	[tilespmem:$0x2A00] =	vst v63  }
0x85: {  	s21 =	simm.s32 $0xC18;
	s22 =	simm.s32 $0x2318  }
0x86: {  	[tilespmem:s22], [sflag:$0x1] =	stream.indirect.gather [hbm4b:s3+s11], $0x1, s21, s11, $0xb8;
	[tilespmem:$0x2A00] =	vst v63  }
0x87: {  	s23 =	simm.s32 $0xC90;
	s24 =	simm.s32 $0x2390  }
0x88: {  	[tilespmem:s24], [sflag:$0x1] =	stream.indirect.gather [hbm4b:s3+s11], $0x1, s23, s11, $0xb8;
	[tilespmem:$0x2A00] =	vst v63  }
0x89: {  	s25 =	simm.s32 $0xD08;
	s26 =	simm.s32 $0x2408  }
0x8a: {  	[tilespmem:s26], [sflag:$0x1] =	stream.indirect.gather [hbm4b:s3+s11], $0x1, s25, s11, $0xb8;
	[tilespmem:$0x2A00] =	vst v63  }
0x8b: {  	s28 =	simm.s32 $0xD80;
	s29 =	simm.s32 $0x2480  }
0x8c: {  	[tilespmem:s29], [sflag:$0x1] =	stream.indirect.gather [hbm4b:s3+s11], $0x1, s28, s11, $0xb8;
	[tilespmem:$0x2A00] =	vst v63  }
0x8d: {  	s30 =	simm.s32 $0xDF8;
	s31 =	simm.s32 $0x24F8  }
0x8e: {  	[tilespmem:s31], [sflag:$0x1] =	stream.indirect.gather [hbm4b:s3+s11], $0x1, s30, s11, $0xb8;
	[tilespmem:$0x2A00] =	vst v63  }
0x8f: {  	s21 =	simm.s32 $0xE70;
	s22 =	simm.s32 $0x2570  }
0x90: {  	[tilespmem:s22], [sflag:$0x1] =	stream.indirect.gather [hbm4b:s3+s11], $0x1, s21, s11, $0xb8;
	[tilespmem:$0x2A00] =	vst v63  }
0x91: {  	s23 =	simm.s32 $0xEE8;
	s24 =	simm.s32 $0x25E8  }
0x92: {  	[tilespmem:s24], [sflag:$0x1] =	stream.indirect.gather [hbm4b:s3+s11], $0x1, s23, s11, $0xb8;
	[tilespmem:$0x2A00] =	vst v63  }
0x93: {  	s25 =	simm.s32 $0xF60;
	s26 =	simm.s32 $0x2660  }
0x94: {  	[tilespmem:s26], [sflag:$0x1] =	stream.indirect.gather [hbm4b:s3+s11], $0x1, s25, s11, $0xb8;
	[tilespmem:$0x2A00] =	vst v63  }
0x95: {  	_ = 	snop  }
0x96: {  	[tilespmem:s13], [sflag:$0x1] =	stream.indirect.gather [hbm4b:s3+s11], $0x1, s12, s11, $0xb8;
	[tilespmem:$0x2A00] =	vst v63  }
0x97: {  	_ = 	snop  }
0x98: {  	[tilespmem:s15], [sflag:$0x1] =	stream.indirect.gather [hbm4b:s3+s11], $0x1, s14, s11, $0xb8;
	[tilespmem:$0x2A00] =	vst v63  }
0x99: {  	_ = 	snop  }
0x9a: {  	[tilespmem:s17], [sflag:$0x1] =	stream.indirect.gather [hbm4b:s3+s11], $0x1, s16, s11, $0xb8;
	[tilespmem:$0x2A00] =	vst v63  }
0x9b: {  	_ =	swait.ge [sflag:s18], $0x78  }
0x9c: {  	[sflag:s18] =	ssyncset.done $0x0  }
0x9d: {  	[sflag:s18] =	ssyncadd.s32 $0xFFFFFF88  }
0x9e: {  	_ =	swait.ge [sflag:s18], $0x78  }
0x9f: {  	[sflag:s18] =	ssyncset.done $0x0  }
0xa0: {  	[sflag:s18] =	ssyncadd.s32 $0xFFFFFF88  }
0xa1: {  	_ =	swait.ge [sflag:s18], $0x78  }
0xa2: {  	[sflag:s18] =	ssyncset.done $0x0  }
0xa3: {  	[sflag:s18] =	ssyncadd.s32 $0xFFFFFF88  }
0xa4: {  	_ =	swait.ge [sflag:s18], $0x78  }
0xa5: {  	[sflag:s18] =	ssyncset.done $0x0  }
0xa6: {  	[sflag:s18] =	ssyncadd.s32 $0xFFFFFF88  }
0xa7: {  	_ =	swait.ge [sflag:s18], $0x78  }
0xa8: {  	[sflag:s18] =	ssyncset.done $0x0  }
0xa9: {  	[sflag:s18] =	ssyncadd.s32 $0xFFFFFF88  }
0xaa: {  	_ =	swait.ge [sflag:s18], $0x78  }
0xab: {  	[sflag:s18] =	ssyncset.done $0x0  }
0xac: {  	[sflag:s18] =	ssyncadd.s32 $0xFFFFFF88  }
0xad: {  	_ =	swait.ge [sflag:s18], $0x78  }
0xae: {  	[sflag:s18] =	ssyncset.done $0x0  }
0xaf: {  	[sflag:s18] =	ssyncadd.s32 $0xFFFFFF88  }
0xb0: {  	_ =	swait.ge [sflag:s18], $0x78  }
0xb1: {  	[sflag:s18] =	ssyncset.done $0x0  }
0xb2: {  	[sflag:s18] =	ssyncadd.s32 $0xFFFFFF88  }
0xb3: {  	_ =	swait.ge [sflag:s18], $0x78  }
0xb4: {  	[sflag:s18] =	ssyncset.done $0x0  }
0xb5: {  	[sflag:s18] =	ssyncadd.s32 $0xFFFFFF88  }
0xb6: {  	_ =	swait.ge [sflag:s18], $0x78  }
0xb7: {  	[sflag:s18] =	ssyncset.done $0x0  }
0xb8: {  	[sflag:s18] =	ssyncadd.s32 $0xFFFFFF88  }
0xb9: {  	_ =	swait.ge [sflag:s18], $0x78  }
0xba: {  	[sflag:s18] =	ssyncset.done $0x0  }
0xbb: {  	[sflag:s18] =	ssyncadd.s32 $0xFFFFFF88  }
0xbc: {  	_ =	swait.ge [sflag:s18], $0x78  }
0xbd: {  	[sflag:s18] =	ssyncset.done $0x0  }
0xbe: {  	[sflag:s18] =	ssyncadd.s32 $0xFFFFFF88  }
0xbf: {  	_ =	swait.ge [sflag:s18], $0x78  }
0xc0: {  	[sflag:s18] =	ssyncset.done $0x0  }
0xc1: {  	[sflag:s18] =	ssyncadd.s32 $0xFFFFFF88  }
0xc2: {  	_ =	swait.ge [sflag:s18], $0x78  }
0xc3: {  	[sflag:s18] =	ssyncset.done $0x0  }
0xc4: {  	[sflag:s18] =	ssyncadd.s32 $0xFFFFFF88  }
0xc5: {  	_ =	swait.ge [sflag:s18], $0x78  }
0xc6: {  	[sflag:s18] =	ssyncset.done $0x0  }
0xc7: {  	[sflag:s18] =	ssyncadd.s32 $0xFFFFFF88  }
0xc8: {  	_ =	swait.ge [sflag:s18], $0x78  }
0xc9: {  	[sflag:s18] =	ssyncset.done $0x0  }
0xca: {  	[sflag:s18] =	ssyncadd.s32 $0xFFFFFF88  }
0xcb: {  	_ =	swait.ge [sflag:s18], $0x78  }
0xcc: {  	[sflag:s18] =	ssyncset.done $0x0  }
0xcd: {  	[sflag:s18] =	ssyncadd.s32 $0xFFFFFF88  }
0xce: {  	_ =	swait.ge [sflag:s18], $0x78  }
0xcf: {  	[sflag:s18] =	ssyncset.done $0x0  }
0xd0: {  	[sflag:s18] =	ssyncadd.s32 $0xFFFFFF88  }
0xd1: {  	_ =	swait.ge [sflag:s18], $0x78  }
0xd2: {  	[sflag:s18] =	ssyncset.done $0x0  }
0xd3: {  	[sflag:s18] =	ssyncadd.s32 $0xFFFFFF88  }
0xd4: {  	_ =	swait.ge [sflag:s18], $0x78  }
0xd5: {  	[sflag:s18] =	ssyncset.done $0x0  }
0xd6: {  	[sflag:s18] =	ssyncadd.s32 $0xFFFFFF88  }
0xd7: {  	_ =	swait.ge [sflag:s18], $0x78  }
0xd8: {  	[sflag:s18] =	ssyncset.done $0x0  }
0xd9: {  	[sflag:s18] =	ssyncadd.s32 $0xFFFFFF88  }
0xda: {  	_ =	swait.ge [sflag:s18], $0x78  }
0xdb: {  	[sflag:s18] =	ssyncset.done $0x0  }
0xdc: {  	[sflag:s18] =	ssyncadd.s32 $0xFFFFFF88  }
0xdd: {  	_ =	swait.ge [sflag:s18], $0x78  }
0xde: {  	[sflag:s18] =	ssyncset.done $0x0  }
0xdf: {  	[sflag:s18] =	ssyncadd.s32 $0xFFFFFF88  }
0xe0: {  	_ =	swait.ge [sflag:s18], $0x78  }
0xe1: {  	[sflag:s18] =	ssyncset.done $0x0  }
0xe2: {  	s28 =	simm.s32 $0x1D40;
	[sflag:s18] =	ssyncadd.s32 $0xFFFFFF88  }
0xe3: {  	s29 =	simm.s32 $0x11C0;
	v0 =	vld [tilespmem:s28+$0xFFFFFFC0]  }
0xe4: {  	v1 =	vld [tilespmem:s29+$0xFFFFFFC0]  }
0xe5: {  	v2 =	vld [tilespmem:s29+$0xFFFFFFD0]  }
0xe6: {  	v3 =	vld [tilespmem:s28+$0xFFFFFFD0]  }
0xe7: {  	v54 =	vld [tilespmem:s29+$0xFFFFFFE0]  }
0xe8: {  	v55 =	vld [tilespmem:s28+$0xFFFFFFE0]  }
0xe9: {  	v56 =	vld [tilespmem:s28+$0xFFFFFFF0];
	v0 =	vmul.f32 v0, v1  }
0xea: {  	v1 =	vld [tilespmem:s29+$0xFFFFFFF0]  }
0xeb: {  	v57 =	vld [tilespmem:s28+$0x0];
	v2 =	vmul.f32 v3, v2;
	v0 =	vadd.f32 $0.0e+00, v0  }
0xec: {  	v3 =	vld [tilespmem:s29+$0x0]  }
0xed: {  	v58 =	vld [tilespmem:s29+$0x10];
	v0 =	vadd.f32 v2, v0;
	v2 =	vmul.f32 v55, v54  }
0xee: {  	v59 =	vld [tilespmem:s28+$0x10]  }
0xef: {  	v60 =	vld [tilespmem:s28+$0x20];
	v1 =	vmul.f32 v56, v1;
	v0 =	vadd.f32 v2, v0  }
0xf0: {  	v2 =	vld [tilespmem:s29+$0x20]  }
0xf1: {  	s30 =	simm.s32 $0x0;
	v61 =	vld [tilespmem:s28+$0x30];
	v0 =	vadd.f32 v1, v0;
	v1 =	vmul.f32 v57, v3  }
0xf2: {  	s31 =	sand.u32 $0x1FF0, s30;
	v3 =	vld [tilespmem:s29+$0x30]  }
0xf3: {  	v62 =	vld [tilespmem:s31+$0x1200];
	v0 =	vadd.f32 v1, v0;
	v1 =	vmul.f32 v59, v58  }
0xf4: {  	v63 =	vld [tilespmem:s31+$0x1D80]  }
0xf5: {  	v0 =	vadd.f32 v1, v0;
	v1 =	vmul.f32 v60, v2;
	_ =	sdelay $0x1  }
0xf6: {  	v0 =	vadd.f32 v1, v0;
	v1 =	vmul.f32 v61, v3;
	_ =	sdelay $0x1  }
0xf7: {  	v0 =	vadd.f32 v1, v0;
	v1 =	vmul.f32 v63, v62;
	_ =	sdelay $0x1  }
0xf8: {  	v0 =	vadd.f32 v1, v0  }
0xf9: {  	s21 =	simm.s32 $0x2880  }
0xfa: {  	s22 =	simm.s32 $0x1DD0;
	[tilespmem:s21+$0x0] =	vst v0  }
0xfb: {  	s24 =	simm.s32 $0x1250;
	v0 =	vld [tilespmem:s22+$0xFFFFFFC0]  }
0xfc: {  	s23 =	simm.s32 $0x90;
	s25 =	simm.s32 $0x120;
	v1 =	vld [tilespmem:s24+$0xFFFFFFC0]  }
.LBB2_4:
0xfd: {  	p0 =	sne.s32 s25, $0xAB0;
	v2 =	vld [tilespmem:s24+$0xFFFFFFD0]  }
0xfe: {  	v3 =	vld [tilespmem:s22+$0xFFFFFFD0]  }
0xff: {  	v4 =	vld [tilespmem:s24+$0xFFFFFFE0]  }
0x100: {  	v5 =	vld [tilespmem:s22+$0xFFFFFFE0]  }
0x101: {  	v0 =	vmul.f32 v0, v1;
	v1 =	vld [tilespmem:s24+$0xFFFFFFF0]  }
0x102: {  	v6 =	vld [tilespmem:s22+$0xFFFFFFF0]  }
0x103: {  	v0 =	vadd.f32 $0.0e+00, v0;
	v2 =	vmul.f32 v3, v2;
	v3 =	vld [tilespmem:s24+$0x0]  }
0x104: {  	v7 =	vld [tilespmem:s22+$0x0]  }
0x105: {  	v0 =	vadd.f32 v2, v0;
	v2 =	vmul.f32 v5, v4;
	v4 =	vld [tilespmem:s24+$0x10]  }
0x106: {  	v5 =	vld [tilespmem:s22+$0x10]  }
0x107: {  	v0 =	vadd.f32 v2, v0;
	v1 =	vmul.f32 v6, v1;
	v2 =	vld [tilespmem:s24+$0x20]  }
0x108: {  	v6 =	vld [tilespmem:s22+$0x20]  }
0x109: {  	v0 =	vadd.f32 v1, v0;
	v1 =	vmul.f32 v7, v3;
	v3 =	vld [tilespmem:s24+$0x30]  }
0x10a: {  	s0 =	sand.u32 $0x1FF0, s23;
	s23 =	smov.u32 s25;
	v7 =	vld [tilespmem:s22+$0x30]  }
0x10b: {  	v0 =	vadd.f32 v1, v0;
	v1 =	vmul.f32 v5, v4;
	v4 =	vld [tilespmem:s0+$0x1200]  }
0x10c: {  	v5 =	vld [tilespmem:s0+$0x1D80]  }
0x10d: {  	v0 =	vadd.f32 v1, v0;
	v1 =	vmul.f32 v6, v2;
	_ =	sdelay $0x1  }
0x10e: {  	v0 =	vadd.f32 v1, v0;
	v1 =	vmul.f32 v7, v3;
	_ =	sdelay $0x1  }
0x10f: {  	v0 =	vadd.f32 v1, v0;
	v1 =	vmul.f32 v5, v4;
	_ =	sdelay $0x1  }
.Ltmp1:
0x110: {  	v0 =	vadd.f32 v1, v0;
	(pc) =	sbr.rel @p0 .LBB2_4-.Ltmp1, $4  }
0x111: {  	s21 =	sadd.s32 $0x10, s21  }
0x112: {  	s22 =	sadd.s32 $0x90, s22;
	[tilespmem:s21+$0x0] =	vst v0  }
0x113: {  	s24 =	sadd.s32 $0x90, s24;
	v0 =	vld [tilespmem:s22+$0xFFFFFFC0]  }
0x114: {  	s25 =	sadd.s32 $0x90, s25;
	v1 =	vld [tilespmem:s24+$0xFFFFFFC0]  }
0x115: {  	v2 =	vld [tilespmem:s24+$0xFFFFFFD0]  }
0x116: {  	v3 =	vld [tilespmem:s22+$0xFFFFFFD0]  }
0x117: {  	v4 =	vld [tilespmem:s24+$0xFFFFFFE0]  }
0x118: {  	v5 =	vld [tilespmem:s22+$0xFFFFFFE0]  }
0x119: {  	v48 =	vld [tilespmem:s24+$0xFFFFFFF0];
	v0 =	vmul.f32 v0, v1  }
0x11a: {  	v6 =	vld [tilespmem:s22+$0xFFFFFFF0]  }
0x11b: {  	v49 =	vld [tilespmem:s24+$0x0];
	v2 =	vmul.f32 v3, v2;
	v0 =	vadd.f32 $0.0e+00, v0  }
0x11c: {  	v7 =	vld [tilespmem:s22+$0x0]  }
0x11d: {  	v51 =	vld [tilespmem:s24+$0x10];
	v50 =	vmul.f32 v5, v4;
	v0 =	vadd.f32 v2, v0  }
0x11e: {  	v52 =	vld [tilespmem:s22+$0x10]  }
0x11f: {  	v53 =	vld [tilespmem:s24+$0x20];
	v1 =	vmul.f32 v6, v48;
	v0 =	vadd.f32 v50, v0  }
0x120: {  	v54 =	vld [tilespmem:s22+$0x20]  }
0x121: {  	v56 =	vld [tilespmem:s24+$0x30];
	v55 =	vmul.f32 v7, v49;
	v0 =	vadd.f32 v1, v0  }
0x122: {  	v57 =	vld [tilespmem:s22+$0x30];
	s0 =	sand.u32 $0x1FF0, s23  }
0x123: {  	v59 =	vld [tilespmem:s0+$0x1200];
	v58 =	vmul.f32 v52, v51;
	v0 =	vadd.f32 v55, v0  }
0x124: {  	v60 =	vld [tilespmem:s0+$0x1D80]  }
0x125: {  	v61 =	vmul.f32 v54, v53;
	v0 =	vadd.f32 v58, v0;
	_ =	sdelay $0x1  }
0x126: {  	v62 =	vmul.f32 v57, v56;
	v0 =	vadd.f32 v61, v0;
	_ =	sdelay $0x1  }
0x127: {  	v63 =	vmul.f32 v60, v59;
	v0 =	vadd.f32 v62, v0;
	_ =	sdelay $0x1  }
0x128: {  	s20 =	sadd.s32 $0x1, s20;
	v0 =	vadd.f32 v63, v0  }
0x129: {  	s31 =	sadd.s32 $0x10, s21;
	p0 =	sne.s32 s20, s9  }
.Ltmp2:
0x12a: {  	[tilespmem:s31+$0x0] =	vst v0;
	(pc) =	sbr.rel @p0 .LBB2_1-.Ltmp2, $4  }
0x12b: {  	[hbm4b:s8+s2] =	stream.linear.scatter [tilespmem:s19], [sflag:$0x2], $0x140, $0x38;
	[tilespmem:$0x2A00] =	vst v63  }
0x12c: {  	_ =	swait.ge [sflag:s10], $0x140  }
0x12d: {  	[sflag:s10] =	ssyncset.done $0x0  }
0x12e: {  	[sflag:s10] =	ssyncadd.s32 $0xFFFFFEC0  }
0x12f: {  	_ =	sfence.sel $0x180000  }
0x130: {  	[bflag:$0x0] =	sbarrier.arrive $0xFFFF  }
0x131: {  	_ =	strace $0x9000004A  }
0x132: {  	s0 =	stileid.u32;
	[bflag:$0x2] =	sbarrier.arrive $0xFFFF  }
0x133: {  	p0 =	sne.s32 s0, $0x0;
	s0 =	rddreg [dreg:$0x4]  }
0x134: {  	s0 =	sadd.s32 @!p0 $0x100000, s0  }
0x135: {  	[sflag:s0] =	ssyncadd.tile.s32 @!p0 $0x1;
	_ =	shalt  }
.Lfunc_end2:
_tile_overlayer_lowered:
.L_overlay_start_2:
0x136: {  	(tag) =	ssettag $0x2  }
0x137: {  	s0 =	rddreg [dreg:$0x0];
	s2 =	stileid.u32  }
0x138: {  	s1 =	rddreg [dreg:$0x1];
	p0 =	sne.s32 s2, $0x0  }
0x139: {  	s3 =	rddreg [dreg:$0x2];
	[bflag:$0x3] =	sbarrier.arrive $0xFFFF;
	s2 =	simm.s32 @!p0 $0x1C02  }
0x13a: {  	[timem:s3], [sflag:s2] =	dma.local @!p0 [hbm:s0], s1  }
0x13b: {  	s0 =	simm.s32 @!p0 $0x2  }
0x13c: {  	_ =	swait.ge @!p0 [sflag:s0], s1  }
0x13d: {  	s1 =	ssub.s32 @!p0 $0x0, s1;
	[sflag:s0] =	ssyncset.done @!p0 $0x0  }
0x13e: {  	[sflag:s0] =	ssyncadd.s32 @!p0 s1  }
0x13f: {  	[bflag:$0x3] =	sbarrier.arrive $0xFFFF  }
0x140: {  	_ =	shalt  }

</sc_bundles>
